<compile_context>
chip_gen: v7x
topology: tpu7x:2x2x1
jax: 0.10.2.dev20260603
libtpu: 0.0.44.dev20260713+nightly
codegen_flags: <defaults>
</compile_context>

<pallas_src>
import functools

import jax
import jax.numpy as jnp
from jax import lax
from jax.experimental import pallas as pl
from jax.experimental.pallas import tpu as pltpu
from jax.experimental.pallas import tpu_sc as plsc

N = 10000
E = 320000
D = 128
NOISE = 64
DH = 128
DZ = 64
S = 2

NC = 2
NS = 16
CH = 128
NCHUNK = E // CH
NPAD = 10240
NPT = NPAD // NS

def _offset_idx(idx_ref, off):
    for j in range(CH // 16):
        sl = pl.ds(j * 16, 16)
        idx_ref[sl] = idx_ref[sl] + off


def _zero_acc(zx, acc, sub):
    pltpu.sync_copy(zx, acc.at[pl.ds(sub * NPT, NPT)])
    plsc.subcore_barrier()


def _writeout(acc, out_ref, core, sub):
    plsc.subcore_barrier()
    pltpu.sync_copy(acc.at[pl.ds(sub * NPT, NPT)],
                    out_ref.at[pl.ds(core * NPAD + sub * NPT, NPT)])


def _accum(table, srcp, dstp, src_i, dst_i, rows, sem, acc,
           first, stride, row_off):
    n = (NCHUNK - first + stride - 1) // stride

    def body(k, carry):
        off = (first + k * stride) * CH
        pltpu.sync_copy(srcp.at[pl.ds(off, CH)], src_i)
        pltpu.sync_copy(dstp.at[pl.ds(off, CH)], dst_i.at[0])
        if row_off is not None:
            for j in range(CH // 16):
                sl = pl.ds(j * 16, 16)
                src_i[sl] = src_i[sl] + row_off
        pltpu.async_copy(table.at[src_i], rows, sem).wait()
        pltpu.sync_copy(rows, acc.at[dst_i.at[0]], add=True)
        return carry

    lax.fori_loop(0, n, body, 0)


def _sc_agg1_body(feat, eps_pair, srcp, dstp, zx, aggx_out, aggep_out,
                  src_i, dst_i, rows, sem, acc):
    core = lax.axis_index("c")
    sub = lax.axis_index("s")
    wid = sub * NC + core
    _zero_acc(zx, acc, sub)
    _accum(feat, srcp, dstp, src_i, dst_i, rows, sem, acc, wid, NC * NS, None)
    _writeout(acc, aggx_out, core, sub)
    _zero_acc(zx, acc, sub)
    _accum(eps_pair, srcp, dstp, src_i, dst_i, rows, sem, acc, wid, NC * NS, None)
    _writeout(acc, aggep_out, core, sub)


def _sc_agg2_body(h2, srcp, dstp, zx, agg_out, src_i, dst_i, rows, sem, acc):
    core = lax.axis_index("c")
    sub = lax.axis_index("s")
    _zero_acc(zx, acc, sub)
    _accum(h2, srcp, dstp, src_i, dst_i, rows, sem, acc, sub, NS, core * N)
    _writeout(acc, agg_out, core, sub)


@functools.lru_cache(maxsize=None)
def _sc_kernels():
    mesh = plsc.VectorSubcoreMesh(core_axis_name="c", subcore_axis_name="s",
                                  num_cores=NC, num_subcores=NS)
    scratch = [
        pltpu.VMEM((CH,), jnp.int32),
        pltpu.VMEM((1, CH), jnp.int32),
        pltpu.VMEM((CH, D), jnp.float32),
        pltpu.SemaphoreType.DMA,
        pltpu.VMEM_SHARED((NPAD, D), jnp.float32),
    ]
    agg1 = pl.kernel(
        _sc_agg1_body,
        out_type=[
            jax.ShapeDtypeStruct((NC * NPAD, D), jnp.float32),
            jax.ShapeDtypeStruct((NC * NPAD, D), jnp.float32),
        ],
        mesh=mesh,
        scratch_types=list(scratch),
    )
    agg2 = pl.kernel(
        _sc_agg2_body,
        out_type=jax.ShapeDtypeStruct((S * NPAD, DH), jnp.float32),
        mesh=mesh,
        scratch_types=list(scratch),
    )
    return agg1, agg2


BM = 1000


def _layer1_body(scal, x_ref, aggx_ref, eps_ref, aggep_ref, wx_ref, we_ref,
                 bu_ref, h_ref):
    s = pl.program_id(0)
    su = scal[0, 0]
    a = su * x_ref[...] + aggx_ref[0] + aggx_ref[1]
    ep = aggep_ref[0] + aggep_ref[1]
    e = su * eps_ref[0] + jnp.where(s == 0, ep[:, :NOISE], ep[:, NOISE:])
    h = jnp.dot(a, wx_ref[...], preferred_element_type=jnp.float32)
    h += jnp.dot(e, we_ref[...], preferred_element_type=jnp.float32)
    h += bu_ref[...]
    h_ref[0] = jnp.maximum(h, 0.0)


def _layer2_body(scal, h_ref, agg_ref, wmu_ref, wsig_ref, bmu_ref, bsig_ref,
                 z_ref):
    smu = scal[0, 1]
    ssig = scal[0, 2]
    c = scal[0, 3]
    h = h_ref[0]
    agg = agg_ref[0]
    mu = jnp.dot(smu * h + agg, wmu_ref[...], preferred_element_type=jnp.float32)
    mu += bmu_ref[...]
    ls = jnp.dot(ssig * h + agg, wsig_ref[...], preferred_element_type=jnp.float32)
    ls += bsig_ref[...]
    z_ref[0] = mu + c * jnp.exp(ls * 0.5)


def _decoder_body(zr_ref, zc_ref, out_ref):
    logits = lax.dot_general(zr_ref[0], zc_ref[0], (((1,), (1,)), ((), ())),
                             preferred_element_type=jnp.float32)
    out_ref[0] = jax.nn.sigmoid(logits)


def _layer1(scal, feat, aggx, epsilon, aggep, wx, we, bu):
    return pl.pallas_call(
        _layer1_body,
        grid=(S, N // BM),
        in_specs=[
            pl.BlockSpec((1, 4), lambda s, i: (0, 0)),
            pl.BlockSpec((BM, D), lambda s, i: (i, 0)),
            pl.BlockSpec((NC, BM, D), lambda s, i: (0, i, 0)),
            pl.BlockSpec((1, BM, NOISE), lambda s, i: (s, i, 0)),
            pl.BlockSpec((NC, BM, D), lambda s, i: (0, i, 0)),
            pl.BlockSpec((D, DH), lambda s, i: (0, 0)),
            pl.BlockSpec((NOISE, DH), lambda s, i: (0, 0)),
            pl.BlockSpec((1, DH), lambda s, i: (0, 0)),
        ],
        out_specs=pl.BlockSpec((1, BM, DH), lambda s, i: (s, i, 0)),
        out_shape=jax.ShapeDtypeStruct((S, N, DH), jnp.float32),
    )(scal, feat, aggx, epsilon, aggep, wx, we, bu)


def _layer2(scal, h, aggh, wmu, wsig, bmu, bsig):
    return pl.pallas_call(
        _layer2_body,
        grid=(S, N // BM),
        in_specs=[
            pl.BlockSpec((1, 4), lambda s, i: (0, 0)),
            pl.BlockSpec((1, BM, DH), lambda s, i: (s, i, 0)),
            pl.BlockSpec((1, BM, DH), lambda s, i: (s, i, 0)),
            pl.BlockSpec((DH, DZ), lambda s, i: (0, 0)),
            pl.BlockSpec((DH, DZ), lambda s, i: (0, 0)),
            pl.BlockSpec((1, DZ), lambda s, i: (0, 0)),
            pl.BlockSpec((1, DZ), lambda s, i: (0, 0)),
        ],
        out_specs=pl.BlockSpec((1, BM, DZ), lambda s, i: (s, i, 0)),
        out_shape=jax.ShapeDtypeStruct((S, N, DZ), jnp.float32),
    )(scal, h, aggh, wmu, wsig, bmu, bsig)


BN = 1024


def _decoder(z):
    return pl.pallas_call(
        _decoder_body,
        grid=(S, N // BM, pl.cdiv(N, BN)),
        in_specs=[
            pl.BlockSpec((1, BM, DZ), lambda s, i, j: (s, i, 0)),
            pl.BlockSpec((1, BN, DZ), lambda s, i, j: (s, j, 0)),
        ],
        out_specs=pl.BlockSpec((1, BM, BN), lambda s, i, j: (s, i, j)),
        out_shape=jax.ShapeDtypeStruct((S, N, N), jnp.float32),
    )(z, z)


def kernel(adj_matrix, feat_matrix, epsilon, normal_sample, Wu, bu, eps_u,
           Wmu, bmu, eps_mu, Wsig, bsig, eps_sig):
    src = adj_matrix[0]
    dst = adj_matrix[1]
    eps_pair = jnp.concatenate([epsilon[0], epsilon[1]], axis=1)
    scal = jnp.stack([1.0 + eps_u, 1.0 + eps_mu, 1.0 + eps_sig,
                      normal_sample[0]]).reshape(1, 4)
    zx = jnp.zeros((NPT, D), jnp.float32)

    sc_agg1, sc_agg2 = _sc_kernels()
    aggx2, aggep2 = sc_agg1(feat_matrix, eps_pair, src, dst, zx)
    h = _layer1(scal, feat_matrix, aggx2.reshape(NC, NPAD, D),
                epsilon, aggep2.reshape(NC, NPAD, D),
                Wu[:D], Wu[D:], bu.reshape(1, DH))
    aggh2 = sc_agg2(h.reshape(S * N, DH), src, dst, zx)
    z = _layer2(scal, h, aggh2.reshape(S, NPAD, DH),
                Wmu, Wsig, bmu.reshape(1, DZ), bsig.reshape(1, DZ))
    prob = _decoder(z)
    return (z, prob)

# --- scband reference (transcript-rebuilt; emitter-appended) ---
"""Pipeline reference for scband-sigvae-gin-32976758898940 (READ-ONLY COPY).

The authoritative reference and input builder live on the scoring server;
editing this copy changes nothing except your own understanding.
"""

import jax, jax.numpy as jnp
import numpy as np

N = 10000
E = 320000
D = 128
NOISE = 64
DH = 128
DZ = 64
K = 1
J = 1
S = K + J


def setup_inputs(seed: int = 0) -> dict:
    key = jax.random.key(seed)
    ks = jax.random.split(key, 12)
    feat_matrix = jax.random.normal(ks[0], (N, D), dtype=jnp.float32)
    adj_matrix = jax.random.randint(ks[1], (2, E), 0, N, dtype=jnp.int32)
    # Bernoulli(0.5) noise injected by GINu (sample dim = K + J)
    epsilon = (jax.random.uniform(ks[2], (S, N, NOISE)) < 0.5).astype(jnp.float32)
    # scalar reparameterization noise: Z = mu + param * sigma
    normal_sample = jax.random.normal(ks[3], (1,), dtype=jnp.float32)
    Wu = jax.random.normal(ks[4], (D + NOISE, DH), dtype=jnp.float32) * 0.05
    bu = jnp.zeros((DH,), dtype=jnp.float32)
    eps_u = jnp.zeros((), dtype=jnp.float32)
    Wmu = jax.random.normal(ks[5], (DH, DZ), dtype=jnp.float32) * 0.05
    bmu = jnp.zeros((DZ,), dtype=jnp.float32)
    eps_mu = jnp.zeros((), dtype=jnp.float32)
    Wsig = jax.random.normal(ks[6], (DH, DZ), dtype=jnp.float32) * 0.05
    bsig = jnp.zeros((DZ,), dtype=jnp.float32)
    eps_sig = jnp.zeros((), dtype=jnp.float32)
    return {
        "adj_matrix": adj_matrix,
        "feat_matrix": feat_matrix,
        "epsilon": epsilon,
        "normal_sample": normal_sample,
        "Wu": Wu, "bu": bu, "eps_u": eps_u,
        "Wmu": Wmu, "bmu": bmu, "eps_mu": eps_mu,
        "Wsig": Wsig, "bsig": bsig, "eps_sig": eps_sig,
    }


def _gin_agg(x, src, dst):
    # sum-aggregation GIN message passing: gather from src, scatter-add at dst
    msgs = x[:, src, :]                       # (S, E, d) gather
    agg = jnp.zeros_like(x).at[:, dst, :].add(msgs)  # (S, N, d) scatter-add
    return agg


def reference(adj_matrix, feat_matrix, epsilon, normal_sample,
              Wu, bu, eps_u, Wmu, bmu, eps_mu, Wsig, bsig, eps_sig):
    src = adj_matrix[0]
    dst = adj_matrix[1]
    # GINu: tile features over the K+J sample dim, concat Bernoulli noise
    X = jnp.broadcast_to(feat_matrix[None, :, :], (S, N, D))
    temp = jnp.concatenate([X, epsilon], axis=-1)       # (S, N, D+NOISE)
    h = (1.0 + eps_u) * temp + _gin_agg(temp, src, dst)
    h = jax.nn.relu(h @ Wu + bu)                        # (S, N, DH)
    # GINmu (identity activation)
    mu = ((1.0 + eps_mu) * h + _gin_agg(h, src, dst)) @ Wmu + bmu   # (S, N, DZ)
    # GINsigma (identity activation), sigma = exp(logit / 2)
    logsig = ((1.0 + eps_sig) * h + _gin_agg(h, src, dst)) @ Wsig + bsig
    sigma = jnp.exp(logsig / 2.0)
    # reparameterize
    Z = mu + normal_sample[0] * sigma                   # (S, N, DZ)
    # InnerProductDecoder: sigmoid(Z @ Z^T) per sample
    logits = jnp.einsum('snd,smd->snm', Z, Z)           # (S, N, N)
    generated_prob = jax.nn.sigmoid(logits)
    return (Z, generated_prob)


if False:  # reference __main__ guard neutralized (emitter)
    inp = setup_inputs()
    out = reference(**inp)
    print(out[0].shape, out[1].shape)

if __name__ == "__main__":
    import jax
    _d = setup_inputs()
    print(jax.jit(kernel)(*tuple(_d.values())))

</pallas_src>

<mosaic_0001>
#map = affine_map<(d0, d1) -> (0, 0)>
#map1 = affine_map<(d0, d1) -> (0)>
module attributes {stable_mosaic.version = 14 : i64} {
  func.func @_sc_agg2_body(%arg0: i32, %arg1: i32, %arg2: memref<20000x128xf32, #tpu.memory_space<hbm>>, %arg3: memref<320000xi32, #tpu.memory_space<hbm>>, %arg4: memref<320000xi32, #tpu.memory_space<hbm>>, %arg5: memref<640x128xf32, #tpu.memory_space<hbm>>, %arg6: memref<20480x128xf32, #tpu.memory_space<hbm>>, %arg7: memref<128xi32, #tpu.memory_space<vmem>>, %arg8: memref<1x128xi32, #tpu.memory_space<vmem>>, %arg9: memref<128x128xf32, #tpu.memory_space<vmem>>, %arg10: memref<!tpu.dma_semaphore, #tpu.memory_space<semaphore_mem>>, %arg11: memref<10240x128xf32, #tpu.memory_space<vmem_shared>>) attributes {dimension_semantics = [#tpu.dimension_semantics<core_parallel>, #tpu.dimension_semantics<subcore_parallel>], iteration_bounds = array<i64: 2, 16>, scalar_prefetch = 0 : i64, scratch_operands = 5 : i64, tpu.core_type = #tpu.core_type<sc_vector_subcore>, window_params = [{transform_indices = #map}, {transform_indices = #map1}, {transform_indices = #map1}, {transform_indices = #map}, {transform_indices = #map}]} {
    %mul3A = arith.constant 640 : i32
    %mul3A_0 = arith.muli %arg1, %mul3A : i32
    "tpu.region"() ({
      %run_scoped3A = tpu.sem_alloc : memref<!tpu.dma_semaphore, #tpu.memory_space<semaphore_mem>>
      %dma_start3A = arith.constant 0 : i32
      %dma_start3A_41 = tpu.memref_slice %arg11[%mul3A_0, %dma_start3A] : memref<10240x128xf32, #tpu.memory_space<vmem_shared>> -> memref<640x128xf32, #tpu.memory_space<vmem_shared>>
      tpu.enqueue_dma source(%arg5 : memref<640x128xf32, #tpu.memory_space<hbm>>) target(%dma_start3A_41 : memref<640x128xf32, #tpu.memory_space<vmem_shared>>) target_semaphore(%run_scoped3A : memref<!tpu.dma_semaphore, #tpu.memory_space<semaphore_mem>>)
      %dma_wait3A = arith.constant 0 : i32
      %dma_wait3A_42 = tpu.memref_slice %arg11[%mul3A_0, %dma_wait3A] : memref<10240x128xf32, #tpu.memory_space<vmem_shared>> -> memref<640x128xf32, #tpu.memory_space<vmem_shared>>
      tpu.wait_dma2 semaphore(%run_scoped3A : memref<!tpu.dma_semaphore, #tpu.memory_space<semaphore_mem>>) src(%arg5 : memref<640x128xf32, #tpu.memory_space<hbm>>) dst(%dma_wait3A_42 : memref<640x128xf32, #tpu.memory_space<vmem_shared>>)
      tpu.yield
    }) : () -> ()
    %barrier3A = arith.constant 0 : index
    tpu.barrier barrier_id(%barrier3A)
    %mul3A_1 = arith.constant 10000 : i32
    %mul3A_2 = arith.muli %arg0, %mul3A_1 : i32
    %sub3A = arith.constant 2500 : i32
    %sub3A_3 = arith.subi %sub3A, %arg1 : i32
    %add3A = arith.constant 16 : i32
    %add3A_4 = arith.addi %sub3A_3, %add3A : i32
    %sub3A_5 = arith.constant 1 : i32
    %sub3A_6 = arith.subi %add3A_4, %sub3A_5 : i32
    %jit3A = arith.constant 16 : i32
    %div3A = arith.divsi %sub3A_6, %jit3A : i32
    %sign3A = arith.constant 0 : i32
    %sign3A_7 = arith.cmpi sgt, %sub3A_6, %sign3A : i32
    %sign3A_8 = arith.extui %sign3A_7 : i1 to i32
    %sign3A_9 = arith.constant 0 : i32
    %sign3A_10 = arith.cmpi slt, %sub3A_6, %sign3A_9 : i32
    %sign3A_11 = arith.extui %sign3A_10 : i1 to i32
    %sign3A_12 = arith.subi %sign3A_8, %sign3A_11 : i32
    %sign3A_13 = arith.constant 0 : i32
    %sign3A_14 = arith.cmpi sgt, %jit3A, %sign3A_13 : i32
    %sign3A_15 = arith.extui %sign3A_14 : i1 to i32
    %sign3A_16 = arith.constant 0 : i32
    %sign3A_17 = arith.cmpi slt, %jit3A, %sign3A_16 : i32
    %sign3A_18 = arith.extui %sign3A_17 : i1 to i32
    %sign3A_19 = arith.subi %sign3A_15, %sign3A_18 : i32
    %ne3A = arith.cmpi ne, %sign3A_12, %sign3A_19 : i32
    %rem3A = arith.remsi %sub3A_6, %jit3A : i32
    %ne3A_20 = arith.constant 0 : i32
    %ne3A_21 = arith.cmpi ne, %rem3A, %ne3A_20 : i32
    %and3A = arith.andi %ne3A, %ne3A_21 : i1
    %sub3A_22 = arith.constant 1 : i32
    %sub3A_23 = arith.subi %div3A, %sub3A_22 : i32
    %select_n3A = arith.select %and3A, %sub3A_23, %div3A : i32
    %while3A = arith.constant 0 : i32
    %while3A_24 = arith.constant 0 : i32
    %while3A_25 = arith.subi %select_n3A, %while3A_24 : i32
    %while3A_26 = arith.addi %while3A_24, %while3A_25 : i32
    %while3A_27 = arith.constant 1 : i32
    %while3A_28 = arith.divsi %while3A_25, %while3A_27 : i32
    %while3A_29 = arith.muli %while3A_28, %while3A_27 : i32
    %while3A_30 = arith.addi %while3A_24, %while3A_29 : i32
    %while3A_31 = arith.constant 1 : i32
    scf.for %while3A_41 = %while3A_24 to %while3A_30 step %while3A_31  : i32 {
      %mul3A_42 = arith.constant 16 : i32
      %mul3A_43 = arith.muli %while3A_41, %mul3A_42 : i32
      %add3A_44 = arith.addi %arg1, %mul3A_43 : i32
      %mul3A_45 = arith.constant 128 : i32
      %mul3A_46 = arith.muli %add3A_44, %mul3A_45 : i32
      "tpu.region"() ({
        %run_scoped3A_122 = tpu.sem_alloc : memref<!tpu.dma_semaphore, #tpu.memory_space<semaphore_mem>>
        %dma_start3A_123 = tpu.memref_slice %arg3[%mul3A_46] : memref<320000xi32, #tpu.memory_space<hbm>> -> memref<128xi32, #tpu.memory_space<hbm>>
        %dma_start3A_124 = tpu.memref_slice %arg3[%mul3A_46] : memref<320000xi32, #tpu.memory_space<hbm>> -> memref<128xi32, #tpu.memory_space<hbm>>
        tpu.enqueue_dma source(%dma_start3A_124 : memref<128xi32, #tpu.memory_space<hbm>>) target(%arg7 : memref<128xi32, #tpu.memory_space<vmem>>) target_semaphore(%run_scoped3A_122 : memref<!tpu.dma_semaphore, #tpu.memory_space<semaphore_mem>>)
        %dma_wait3A_125 = tpu.memref_slice %arg3[%mul3A_46] : memref<320000xi32, #tpu.memory_space<hbm>> -> memref<128xi32, #tpu.memory_space<hbm>>
        %dma_wait3A_126 = tpu.memref_slice %arg3[%mul3A_46] : memref<320000xi32, #tpu.memory_space<hbm>> -> memref<128xi32, #tpu.memory_space<hbm>>
        tpu.wait_dma2 semaphore(%run_scoped3A_122 : memref<!tpu.dma_semaphore, #tpu.memory_space<semaphore_mem>>) src(%dma_wait3A_126 : memref<128xi32, #tpu.memory_space<hbm>>) dst(%arg7 : memref<128xi32, #tpu.memory_space<vmem>>)
        tpu.yield
      }) : () -> ()
      %run_scoped3A = arith.constant 0 : i32
      "tpu.region"() ({
        %run_scoped3A_122 = tpu.sem_alloc : memref<!tpu.dma_semaphore, #tpu.memory_space<semaphore_mem>>
        %dma_start3A_123 = arith.constant 0 : i32
        %dma_start3A_124 = tpu.memref_slice %arg8[%run_scoped3A, %dma_start3A_123] : memref<1x128xi32, #tpu.memory_space<vmem>> -> memref<1x128xi32, #tpu.memory_space<vmem>>
        %dma_start3A_125 = tpu.memref_squeeze %dma_start3A_124 : memref<1x128xi32, #tpu.memory_space<vmem>> -> memref<128xi32, #tpu.memory_space<vmem>>
        %dma_start3A_126 = tpu.memref_slice %arg4[%mul3A_46] : memref<320000xi32, #tpu.memory_space<hbm>> -> memref<128xi32, #tpu.memory_space<hbm>>
        %dma_start3A_127 = arith.constant 0 : i32
        %dma_start3A_128 = tpu.memref_slice %arg8[%run_scoped3A, %dma_start3A_127] : memref<1x128xi32, #tpu.memory_space<vmem>> -> memref<1x128xi32, #tpu.memory_space<vmem>>
        %dma_start3A_129 = tpu.memref_squeeze %dma_start3A_128 : memref<1x128xi32, #tpu.memory_space<vmem>> -> memref<128xi32, #tpu.memory_space<vmem>>
        %dma_start3A_130 = tpu.memref_slice %arg4[%mul3A_46] : memref<320000xi32, #tpu.memory_space<hbm>> -> memref<128xi32, #tpu.memory_space<hbm>>
        tpu.enqueue_dma source(%dma_start3A_130 : memref<128xi32, #tpu.memory_space<hbm>>) target(%dma_start3A_129 : memref<128xi32, #tpu.memory_space<vmem>>) target_semaphore(%run_scoped3A_122 : memref<!tpu.dma_semaphore, #tpu.memory_space<semaphore_mem>>)
        %dma_wait3A_131 = arith.constant 0 : i32
        %dma_wait3A_132 = tpu.memref_slice %arg8[%run_scoped3A, %dma_wait3A_131] : memref<1x128xi32, #tpu.memory_space<vmem>> -> memref<1x128xi32, #tpu.memory_space<vmem>>
        %dma_wait3A_133 = tpu.memref_squeeze %dma_wait3A_132 : memref<1x128xi32, #tpu.memory_space<vmem>> -> memref<128xi32, #tpu.memory_space<vmem>>
        %dma_wait3A_134 = tpu.memref_slice %arg4[%mul3A_46] : memref<320000xi32, #tpu.memory_space<hbm>> -> memref<128xi32, #tpu.memory_space<hbm>>
        %dma_wait3A_135 = arith.constant 0 : i32
        %dma_wait3A_136 = tpu.memref_slice %arg8[%run_scoped3A, %dma_wait3A_135] : memref<1x128xi32, #tpu.memory_space<vmem>> -> memref<1x128xi32, #tpu.memory_space<vmem>>
        %dma_wait3A_137 = tpu.memref_squeeze %dma_wait3A_136 : memref<1x128xi32, #tpu.memory_space<vmem>> -> memref<128xi32, #tpu.memory_space<vmem>>
        %dma_wait3A_138 = tpu.memref_slice %arg4[%mul3A_46] : memref<320000xi32, #tpu.memory_space<hbm>> -> memref<128xi32, #tpu.memory_space<hbm>>
        tpu.wait_dma2 semaphore(%run_scoped3A_122 : memref<!tpu.dma_semaphore, #tpu.memory_space<semaphore_mem>>) src(%dma_wait3A_138 : memref<128xi32, #tpu.memory_space<hbm>>) dst(%dma_wait3A_137 : memref<128xi32, #tpu.memory_space<vmem>>)
        tpu.yield
      }) : () -> ()
      %get3A = arith.constant 0 : index
      %get3A_47 = tpu.vector_load %arg7[%get3A] {strides = array<i32>} : memref<128xi32, #tpu.memory_space<vmem>>, vector<16xi32>,
      %get3A_48 = vector.shape_cast %get3A_47 : vector<16xi32> to vector<16xi32>
      %add3A_49 = vector.broadcast %mul3A_2 : i32 to vector<16xi32>
      %add3A_50 = arith.addi %get3A_48, %add3A_49 : vector<16xi32>
      %swap3A = arith.constant 0 : index
      %swap3A_51 = tpu.vector_load %arg7[%swap3A] {strides = array<i32>} : memref<128xi32, #tpu.memory_space<vmem>>, vector<16xi32>,
      %swap3A_52 = vector.shape_cast %swap3A_51 : vector<16xi32> to vector<16xi32>
      %swap3A_53 = vector.shape_cast %add3A_50 : vector<16xi32> to vector<16xi32>
      tpu.vector_store %arg7[%swap3A], %swap3A_53 {strides = array<i32>} : memref<128xi32, #tpu.memory_space<vmem>>, vector<16xi32>,
      %get3A_54 = arith.constant 16 : index
      %get3A_55 = tpu.vector_load %arg7[%get3A_54] {strides = array<i32>} : memref<128xi32, #tpu.memory_space<vmem>>, vector<16xi32>,
      %get3A_56 = vector.shape_cast %get3A_55 : vector<16xi32> to vector<16xi32>
      %add3A_57 = vector.broadcast %mul3A_2 : i32 to vector<16xi32>
      %add3A_58 = arith.addi %get3A_56, %add3A_57 : vector<16xi32>
      %swap3A_59 = arith.constant 16 : index
      %swap3A_60 = tpu.vector_load %arg7[%swap3A_59] {strides = array<i32>} : memref<128xi32, #tpu.memory_space<vmem>>, vector<16xi32>,
      %swap3A_61 = vector.shape_cast %swap3A_60 : vector<16xi32> to vector<16xi32>
      %swap3A_62 = vector.shape_cast %add3A_58 : vector<16xi32> to vector<16xi32>
      tpu.vector_store %arg7[%swap3A_59], %swap3A_62 {strides = array<i32>} : memref<128xi32, #tpu.memory_space<vmem>>, vector<16xi32>,
      %get3A_63 = arith.constant 32 : index
      %get3A_64 = tpu.vector_load %arg7[%get3A_63] {strides = array<i32>} : memref<128xi32, #tpu.memory_space<vmem>>, vector<16xi32>,
      %get3A_65 = vector.shape_cast %get3A_64 : vector<16xi32> to vector<16xi32>
      %add3A_66 = vector.broadcast %mul3A_2 : i32 to vector<16xi32>
      %add3A_67 = arith.addi %get3A_65, %add3A_66 : vector<16xi32>
      %swap3A_68 = arith.constant 32 : index
      %swap3A_69 = tpu.vector_load %arg7[%swap3A_68] {strides = array<i32>} : memref<128xi32, #tpu.memory_space<vmem>>, vector<16xi32>,
      %swap3A_70 = vector.shape_cast %swap3A_69 : vector<16xi32> to vector<16xi32>
      %swap3A_71 = vector.shape_cast %add3A_67 : vector<16xi32> to vector<16xi32>
      tpu.vector_store %arg7[%swap3A_68], %swap3A_71 {strides = array<i32>} : memref<128xi32, #tpu.memory_space<vmem>>, vector<16xi32>,
      %get3A_72 = arith.constant 48 : index
      %get3A_73 = tpu.vector_load %arg7[%get3A_72] {strides = array<i32>} : memref<128xi32, #tpu.memory_space<vmem>>, vector<16xi32>,
      %get3A_74 = vector.shape_cast %get3A_73 : vector<16xi32> to vector<16xi32>
      %add3A_75 = vector.broadcast %mul3A_2 : i32 to vector<16xi32>
      %add3A_76 = arith.addi %get3A_74, %add3A_75 : vector<16xi32>
      %swap3A_77 = arith.constant 48 : index
      %swap3A_78 = tpu.vector_load %arg7[%swap3A_77] {strides = array<i32>} : memref<128xi32, #tpu.memory_space<vmem>>, vector<16xi32>,
      %swap3A_79 = vector.shape_cast %swap3A_78 : vector<16xi32> to vector<16xi32>
      %swap3A_80 = vector.shape_cast %add3A_76 : vector<16xi32> to vector<16xi32>
      tpu.vector_store %arg7[%swap3A_77], %swap3A_80 {strides = array<i32>} : memref<128xi32, #tpu.memory_space<vmem>>, vector<16xi32>,
      %get3A_81 = arith.constant 64 : index
      %get3A_82 = tpu.vector_load %arg7[%get3A_81] {strides = array<i32>} : memref<128xi32, #tpu.memory_space<vmem>>, vector<16xi32>,
      %get3A_83 = vector.shape_cast %get3A_82 : vector<16xi32> to vector<16xi32>
      %add3A_84 = vector.broadcast %mul3A_2 : i32 to vector<16xi32>
      %add3A_85 = arith.addi %get3A_83, %add3A_84 : vector<16xi32>
      %swap3A_86 = arith.constant 64 : index
      %swap3A_87 = tpu.vector_load %arg7[%swap3A_86] {strides = array<i32>} : memref<128xi32, #tpu.memory_space<vmem>>, vector<16xi32>,
      %swap3A_88 = vector.shape_cast %swap3A_87 : vector<16xi32> to vector<16xi32>
      %swap3A_89 = vector.shape_cast %add3A_85 : vector<16xi32> to vector<16xi32>
      tpu.vector_store %arg7[%swap3A_86], %swap3A_89 {strides = array<i32>} : memref<128xi32, #tpu.memory_space<vmem>>, vector<16xi32>,
      %get3A_90 = arith.constant 80 : index
      %get3A_91 = tpu.vector_load %arg7[%get3A_90] {strides = array<i32>} : memref<128xi32, #tpu.memory_space<vmem>>, vector<16xi32>,
      %get3A_92 = vector.shape_cast %get3A_91 : vector<16xi32> to vector<16xi32>
      %add3A_93 = vector.broadcast %mul3A_2 : i32 to vector<16xi32>
      %add3A_94 = arith.addi %get3A_92, %add3A_93 : vector<16xi32>
      %swap3A_95 = arith.constant 80 : index
      %swap3A_96 = tpu.vector_load %arg7[%swap3A_95] {strides = array<i32>} : memref<128xi32, #tpu.memory_space<vmem>>, vector<16xi32>,
      %swap3A_97 = vector.shape_cast %swap3A_96 : vector<16xi32> to vector<16xi32>
      %swap3A_98 = vector.shape_cast %add3A_94 : vector<16xi32> to vector<16xi32>
      tpu.vector_store %arg7[%swap3A_95], %swap3A_98 {strides = array<i32>} : memref<128xi32, #tpu.memory_space<vmem>>, vector<16xi32>,
      %get3A_99 = arith.constant 96 : index
      %get3A_100 = tpu.vector_load %arg7[%get3A_99] {strides = array<i32>} : memref<128xi32, #tpu.memory_space<vmem>>, vector<16xi32>,
      %get3A_101 = vector.shape_cast %get3A_100 : vector<16xi32> to vector<16xi32>
      %add3A_102 = vector.broadcast %mul3A_2 : i32 to vector<16xi32>
      %add3A_103 = arith.addi %get3A_101, %add3A_102 : vector<16xi32>
      %swap3A_104 = arith.constant 96 : index
      %swap3A_105 = tpu.vector_load %arg7[%swap3A_104] {strides = array<i32>} : memref<128xi32, #tpu.memory_space<vmem>>, vector<16xi32>,
      %swap3A_106 = vector.shape_cast %swap3A_105 : vector<16xi32> to vector<16xi32>
      %swap3A_107 = vector.shape_cast %add3A_103 : vector<16xi32> to vector<16xi32>
      tpu.vector_store %arg7[%swap3A_104], %swap3A_107 {strides = array<i32>} : memref<128xi32, #tpu.memory_space<vmem>>, vector<16xi32>,
      %get3A_108 = arith.constant 112 : index
      %get3A_109 = tpu.vector_load %arg7[%get3A_108] {strides = array<i32>} : memref<128xi32, #tpu.memory_space<vmem>>, vector<16xi32>,
      %get3A_110 = vector.shape_cast %get3A_109 : vector<16xi32> to vector<16xi32>
      %add3A_111 = vector.broadcast %mul3A_2 : i32 to vector<16xi32>
      %add3A_112 = arith.addi %get3A_110, %add3A_111 : vector<16xi32>
      %swap3A_113 = arith.constant 112 : index
      %swap3A_114 = tpu.vector_load %arg7[%swap3A_113] {strides = array<i32>} : memref<128xi32, #tpu.memory_space<vmem>>, vector<16xi32>,
      %swap3A_115 = vector.shape_cast %swap3A_114 : vector<16xi32> to vector<16xi32>
      %swap3A_116 = vector.shape_cast %add3A_112 : vector<16xi32> to vector<16xi32>
      tpu.vector_store %arg7[%swap3A_113], %swap3A_116 {strides = array<i32>} : memref<128xi32, #tpu.memory_space<vmem>>, vector<16xi32>,
      %dma_start3A = arith.constant 0 : i32
      %dma_start3A_117 = arith.constant 0 : i32
      %dma_start3A_118 = tpu.memref_slice %arg2[%dma_start3A, %dma_start3A_117] : memref<20000x128xf32, #tpu.memory_space<hbm>> -> memref<20000x128xf32, #tpu.memory_space<hbm>>
      tpu.enqueue_indirect_dma source(%dma_start3A_118 : memref<20000x128xf32, #tpu.memory_space<hbm>>) target(%arg9 : memref<128x128xf32, #tpu.memory_space<vmem>>) offsets(%arg7 : memref<128xi32, #tpu.memory_space<vmem>>) semaphore(%arg10 : memref<!tpu.dma_semaphore, #tpu.memory_space<semaphore_mem>>)
      %dma_wait3A = arith.constant 0 : i32
      %dma_wait3A_119 = arith.constant 0 : i32
      %dma_wait3A_120 = tpu.memref_slice %arg2[%dma_wait3A, %dma_wait3A_119] : memref<20000x128xf32, #tpu.memory_space<hbm>> -> memref<20000x128xf32, #tpu.memory_space<hbm>>
      tpu.wait_indirect_dma semaphore(%arg10 : memref<!tpu.dma_semaphore, #tpu.memory_space<semaphore_mem>>) src(%dma_wait3A_120 : memref<20000x128xf32, #tpu.memory_space<hbm>>) dst(%arg9 : memref<128x128xf32, #tpu.memory_space<vmem>>)
      %run_scoped3A_121 = arith.constant 0 : i32
      "tpu.region"() ({
        %run_scoped3A_122 = tpu.sem_alloc : memref<!tpu.dma_semaphore, #tpu.memory_space<semaphore_mem>>
        %dma_start3A_123 = arith.constant 0 : i32
        %dma_start3A_124 = tpu.memref_slice %arg8[%run_scoped3A_121, %dma_start3A_123] : memref<1x128xi32, #tpu.memory_space<vmem>> -> memref<1x128xi32, #tpu.memory_space<vmem>>
        %dma_start3A_125 = tpu.memref_squeeze %dma_start3A_124 : memref<1x128xi32, #tpu.memory_space<vmem>> -> memref<128xi32, #tpu.memory_space<vmem>>
        %dma_start3A_126 = arith.constant 0 : i32
        %dma_start3A_127 = arith.constant 0 : i32
        %dma_start3A_128 = tpu.memref_slice %arg11[%dma_start3A_126, %dma_start3A_127] : memref<10240x128xf32, #tpu.memory_space<vmem_shared>> -> memref<10240x128xf32, #tpu.memory_space<vmem_shared>>
        tpu.enqueue_indirect_dma source(%arg9 : memref<128x128xf32, #tpu.memory_space<vmem>>) target(%dma_start3A_128 : memref<10240x128xf32, #tpu.memory_space<vmem_shared>>) offsets(%dma_start3A_125 : memref<128xi32, #tpu.memory_space<vmem>>) semaphore(%run_scoped3A_122 : memref<!tpu.dma_semaphore, #tpu.memory_space<semaphore_mem>>) {add = true}
        %dma_wait3A_129 = arith.constant 0 : i32
        %dma_wait3A_130 = tpu.memref_slice %arg8[%run_scoped3A_121, %dma_wait3A_129] : memref<1x128xi32, #tpu.memory_space<vmem>> -> memref<1x128xi32, #tpu.memory_space<vmem>>
        %dma_wait3A_131 = tpu.memref_squeeze %dma_wait3A_130 : memref<1x128xi32, #tpu.memory_space<vmem>> -> memref<128xi32, #tpu.memory_space<vmem>>
        %dma_wait3A_132 = arith.constant 0 : i32
        %dma_wait3A_133 = arith.constant 0 : i32
        %dma_wait3A_134 = tpu.memref_slice %arg11[%dma_wait3A_132, %dma_wait3A_133] : memref<10240x128xf32, #tpu.memory_space<vmem_shared>> -> memref<10240x128xf32, #tpu.memory_space<vmem_shared>>
        tpu.wait_indirect_dma semaphore(%run_scoped3A_122 : memref<!tpu.dma_semaphore, #tpu.memory_space<semaphore_mem>>) src(%arg9 : memref<128x128xf32, #tpu.memory_space<vmem>>) dst(%dma_wait3A_134 : memref<10240x128xf32, #tpu.memory_space<vmem_shared>>)
        tpu.yield
      }) : () -> ()
    }
    %while3A_32 = arith.constant 1 : i32
    scf.for %while3A_41 = %while3A_30 to %while3A_26 step %while3A_32  : i32 {
      %mul3A_42 = arith.constant 16 : i32
      %mul3A_43 = arith.muli %while3A_41, %mul3A_42 : i32
      %add3A_44 = arith.addi %arg1, %mul3A_43 : i32
      %mul3A_45 = arith.constant 128 : i32
      %mul3A_46 = arith.muli %add3A_44, %mul3A_45 : i32
      "tpu.region"() ({
        %run_scoped3A_122 = tpu.sem_alloc : memref<!tpu.dma_semaphore, #tpu.memory_space<semaphore_mem>>
        %dma_start3A_123 = tpu.memref_slice %arg3[%mul3A_46] : memref<320000xi32, #tpu.memory_space<hbm>> -> memref<128xi32, #tpu.memory_space<hbm>>
        %dma_start3A_124 = tpu.memref_slice %arg3[%mul3A_46] : memref<320000xi32, #tpu.memory_space<hbm>> -> memref<128xi32, #tpu.memory_space<hbm>>
        tpu.enqueue_dma source(%dma_start3A_124 : memref<128xi32, #tpu.memory_space<hbm>>) target(%arg7 : memref<128xi32, #tpu.memory_space<vmem>>) target_semaphore(%run_scoped3A_122 : memref<!tpu.dma_semaphore, #tpu.memory_space<semaphore_mem>>)
        %dma_wait3A_125 = tpu.memref_slice %arg3[%mul3A_46] : memref<320000xi32, #tpu.memory_space<hbm>> -> memref<128xi32, #tpu.memory_space<hbm>>
        %dma_wait3A_126 = tpu.memref_slice %arg3[%mul3A_46] : memref<320000xi32, #tpu.memory_space<hbm>> -> memref<128xi32, #tpu.memory_space<hbm>>
        tpu.wait_dma2 semaphore(%run_scoped3A_122 : memref<!tpu.dma_semaphore, #tpu.memory_space<semaphore_mem>>) src(%dma_wait3A_126 : memref<128xi32, #tpu.memory_space<hbm>>) dst(%arg7 : memref<128xi32, #tpu.memory_space<vmem>>)
        tpu.yield
      }) : () -> ()
      %run_scoped3A = arith.constant 0 : i32
      "tpu.region"() ({
        %run_scoped3A_122 = tpu.sem_alloc : memref<!tpu.dma_semaphore, #tpu.memory_space<semaphore_mem>>
        %dma_start3A_123 = arith.constant 0 : i32
        %dma_start3A_124 = tpu.memref_slice %arg8[%run_scoped3A, %dma_start3A_123] : memref<1x128xi32, #tpu.memory_space<vmem>> -> memref<1x128xi32, #tpu.memory_space<vmem>>
        %dma_start3A_125 = tpu.memref_squeeze %dma_start3A_124 : memref<1x128xi32, #tpu.memory_space<vmem>> -> memref<128xi32, #tpu.memory_space<vmem>>
        %dma_start3A_126 = tpu.memref_slice %arg4[%mul3A_46] : memref<320000xi32, #tpu.memory_space<hbm>> -> memref<128xi32, #tpu.memory_space<hbm>>
        %dma_start3A_127 = arith.constant 0 : i32
        %dma_start3A_128 = tpu.memref_slice %arg8[%run_scoped3A, %dma_start3A_127] : memref<1x128xi32, #tpu.memory_space<vmem>> -> memref<1x128xi32, #tpu.memory_space<vmem>>
        %dma_start3A_129 = tpu.memref_squeeze %dma_start3A_128 : memref<1x128xi32, #tpu.memory_space<vmem>> -> memref<128xi32, #tpu.memory_space<vmem>>
        %dma_start3A_130 = tpu.memref_slice %arg4[%mul3A_46] : memref<320000xi32, #tpu.memory_space<hbm>> -> memref<128xi32, #tpu.memory_space<hbm>>
        tpu.enqueue_dma source(%dma_start3A_130 : memref<128xi32, #tpu.memory_space<hbm>>) target(%dma_start3A_129 : memref<128xi32, #tpu.memory_space<vmem>>) target_semaphore(%run_scoped3A_122 : memref<!tpu.dma_semaphore, #tpu.memory_space<semaphore_mem>>)
        %dma_wait3A_131 = arith.constant 0 : i32
        %dma_wait3A_132 = tpu.memref_slice %arg8[%run_scoped3A, %dma_wait3A_131] : memref<1x128xi32, #tpu.memory_space<vmem>> -> memref<1x128xi32, #tpu.memory_space<vmem>>
        %dma_wait3A_133 = tpu.memref_squeeze %dma_wait3A_132 : memref<1x128xi32, #tpu.memory_space<vmem>> -> memref<128xi32, #tpu.memory_space<vmem>>
        %dma_wait3A_134 = tpu.memref_slice %arg4[%mul3A_46] : memref<320000xi32, #tpu.memory_space<hbm>> -> memref<128xi32, #tpu.memory_space<hbm>>
        %dma_wait3A_135 = arith.constant 0 : i32
        %dma_wait3A_136 = tpu.memref_slice %arg8[%run_scoped3A, %dma_wait3A_135] : memref<1x128xi32, #tpu.memory_space<vmem>> -> memref<1x128xi32, #tpu.memory_space<vmem>>
        %dma_wait3A_137 = tpu.memref_squeeze %dma_wait3A_136 : memref<1x128xi32, #tpu.memory_space<vmem>> -> memref<128xi32, #tpu.memory_space<vmem>>
        %dma_wait3A_138 = tpu.memref_slice %arg4[%mul3A_46] : memref<320000xi32, #tpu.memory_space<hbm>> -> memref<128xi32, #tpu.memory_space<hbm>>
        tpu.wait_dma2 semaphore(%run_scoped3A_122 : memref<!tpu.dma_semaphore, #tpu.memory_space<semaphore_mem>>) src(%dma_wait3A_138 : memref<128xi32, #tpu.memory_space<hbm>>) dst(%dma_wait3A_137 : memref<128xi32, #tpu.memory_space<vmem>>)
        tpu.yield
      }) : () -> ()
      %get3A = arith.constant 0 : index
      %get3A_47 = tpu.vector_load %arg7[%get3A] {strides = array<i32>} : memref<128xi32, #tpu.memory_space<vmem>>, vector<16xi32>,
      %get3A_48 = vector.shape_cast %get3A_47 : vector<16xi32> to vector<16xi32>
      %add3A_49 = vector.broadcast %mul3A_2 : i32 to vector<16xi32>
      %add3A_50 = arith.addi %get3A_48, %add3A_49 : vector<16xi32>
      %swap3A = arith.constant 0 : index
      %swap3A_51 = tpu.vector_load %arg7[%swap3A] {strides = array<i32>} : memref<128xi32, #tpu.memory_space<vmem>>, vector<16xi32>,
      %swap3A_52 = vector.shape_cast %swap3A_51 : vector<16xi32> to vector<16xi32>
      %swap3A_53 = vector.shape_cast %add3A_50 : vector<16xi32> to vector<16xi32>
      tpu.vector_store %arg7[%swap3A], %swap3A_53 {strides = array<i32>} : memref<128xi32, #tpu.memory_space<vmem>>, vector<16xi32>,
      %get3A_54 = arith.constant 16 : index
      %get3A_55 = tpu.vector_load %arg7[%get3A_54] {strides = array<i32>} : memref<128xi32, #tpu.memory_space<vmem>>, vector<16xi32>,
      %get3A_56 = vector.shape_cast %get3A_55 : vector<16xi32> to vector<16xi32>
      %add3A_57 = vector.broadcast %mul3A_2 : i32 to vector<16xi32>
      %add3A_58 = arith.addi %get3A_56, %add3A_57 : vector<16xi32>
      %swap3A_59 = arith.constant 16 : index
      %swap3A_60 = tpu.vector_load %arg7[%swap3A_59] {strides = array<i32>} : memref<128xi32, #tpu.memory_space<vmem>>, vector<16xi32>,
      %swap3A_61 = vector.shape_cast %swap3A_60 : vector<16xi32> to vector<16xi32>
      %swap3A_62 = vector.shape_cast %add3A_58 : vector<16xi32> to vector<16xi32>
      tpu.vector_store %arg7[%swap3A_59], %swap3A_62 {strides = array<i32>} : memref<128xi32, #tpu.memory_space<vmem>>, vector<16xi32>,
      %get3A_63 = arith.constant 32 : index
      %get3A_64 = tpu.vector_load %arg7[%get3A_63] {strides = array<i32>} : memref<128xi32, #tpu.memory_space<vmem>>, vector<16xi32>,
      %get3A_65 = vector.shape_cast %get3A_64 : vector<16xi32> to vector<16xi32>
      %add3A_66 = vector.broadcast %mul3A_2 : i32 to vector<16xi32>
      %add3A_67 = arith.addi %get3A_65, %add3A_66 : vector<16xi32>
      %swap3A_68 = arith.constant 32 : index
      %swap3A_69 = tpu.vector_load %arg7[%swap3A_68] {strides = array<i32>} : memref<128xi32, #tpu.memory_space<vmem>>, vector<16xi32>,
      %swap3A_70 = vector.shape_cast %swap3A_69 : vector<16xi32> to vector<16xi32>
      %swap3A_71 = vector.shape_cast %add3A_67 : vector<16xi32> to vector<16xi32>
      tpu.vector_store %arg7[%swap3A_68], %swap3A_71 {strides = array<i32>} : memref<128xi32, #tpu.memory_space<vmem>>, vector<16xi32>,
      %get3A_72 = arith.constant 48 : index
      %get3A_73 = tpu.vector_load %arg7[%get3A_72] {strides = array<i32>} : memref<128xi32, #tpu.memory_space<vmem>>, vector<16xi32>,
      %get3A_74 = vector.shape_cast %get3A_73 : vector<16xi32> to vector<16xi32>
      %add3A_75 = vector.broadcast %mul3A_2 : i32 to vector<16xi32>
      %add3A_76 = arith.addi %get3A_74, %add3A_75 : vector<16xi32>
      %swap3A_77 = arith.constant 48 : index
      %swap3A_78 = tpu.vector_load %arg7[%swap3A_77] {strides = array<i32>} : memref<128xi32, #tpu.memory_space<vmem>>, vector<16xi32>,
      %swap3A_79 = vector.shape_cast %swap3A_78 : vector<16xi32> to vector<16xi32>
      %swap3A_80 = vector.shape_cast %add3A_76 : vector<16xi32> to vector<16xi32>
      tpu.vector_store %arg7[%swap3A_77], %swap3A_80 {strides = array<i32>} : memref<128xi32, #tpu.memory_space<vmem>>, vector<16xi32>,
      %get3A_81 = arith.constant 64 : index
      %get3A_82 = tpu.vector_load %arg7[%get3A_81] {strides = array<i32>} : memref<128xi32, #tpu.memory_space<vmem>>, vector<16xi32>,
      %get3A_83 = vector.shape_cast %get3A_82 : vector<16xi32> to vector<16xi32>
      %add3A_84 = vector.broadcast %mul3A_2 : i32 to vector<16xi32>
      %add3A_85 = arith.addi %get3A_83, %add3A_84 : vector<16xi32>
      %swap3A_86 = arith.constant 64 : index
      %swap3A_87 = tpu.vector_load %arg7[%swap3A_86] {strides = array<i32>} : memref<128xi32, #tpu.memory_space<vmem>>, vector<16xi32>,
      %swap3A_88 = vector.shape_cast %swap3A_87 : vector<16xi32> to vector<16xi32>
      %swap3A_89 = vector.shape_cast %add3A_85 : vector<16xi32> to vector<16xi32>
      tpu.vector_store %arg7[%swap3A_86], %swap3A_89 {strides = array<i32>} : memref<128xi32, #tpu.memory_space<vmem>>, vector<16xi32>,
      %get3A_90 = arith.constant 80 : index
      %get3A_91 = tpu.vector_load %arg7[%get3A_90] {strides = array<i32>} : memref<128xi32, #tpu.memory_space<vmem>>, vector<16xi32>,
      %get3A_92 = vector.shape_cast %get3A_91 : vector<16xi32> to vector<16xi32>
      %add3A_93 = vector.broadcast %mul3A_2 : i32 to vector<16xi32>
      %add3A_94 = arith.addi %get3A_92, %add3A_93 : vector<16xi32>
      %swap3A_95 = arith.constant 80 : index
      %swap3A_96 = tpu.vector_load %arg7[%swap3A_95] {strides = array<i32>} : memref<128xi32, #tpu.memory_space<vmem>>, vector<16xi32>,
      %swap3A_97 = vector.shape_cast %swap3A_96 : vector<16xi32> to vector<16xi32>
      %swap3A_98 = vector.shape_cast %add3A_94 : vector<16xi32> to vector<16xi32>
      tpu.vector_store %arg7[%swap3A_95], %swap3A_98 {strides = array<i32>} : memref<128xi32, #tpu.memory_space<vmem>>, vector<16xi32>,
      %get3A_99 = arith.constant 96 : index
      %get3A_100 = tpu.vector_load %arg7[%get3A_99] {strides = array<i32>} : memref<128xi32, #tpu.memory_space<vmem>>, vector<16xi32>,
      %get3A_101 = vector.shape_cast %get3A_100 : vector<16xi32> to vector<16xi32>
      %add3A_102 = vector.broadcast %mul3A_2 : i32 to vector<16xi32>
      %add3A_103 = arith.addi %get3A_101, %add3A_102 : vector<16xi32>
      %swap3A_104 = arith.constant 96 : index
      %swap3A_105 = tpu.vector_load %arg7[%swap3A_104] {strides = array<i32>} : memref<128xi32, #tpu.memory_space<vmem>>, vector<16xi32>,
      %swap3A_106 = vector.shape_cast %swap3A_105 : vector<16xi32> to vector<16xi32>
      %swap3A_107 = vector.shape_cast %add3A_103 : vector<16xi32> to vector<16xi32>
      tpu.vector_store %arg7[%swap3A_104], %swap3A_107 {strides = array<i32>} : memref<128xi32, #tpu.memory_space<vmem>>, vector<16xi32>,
      %get3A_108 = arith.constant 112 : index
      %get3A_109 = tpu.vector_load %arg7[%get3A_108] {strides = array<i32>} : memref<128xi32, #tpu.memory_space<vmem>>, vector<16xi32>,
      %get3A_110 = vector.shape_cast %get3A_109 : vector<16xi32> to vector<16xi32>
      %add3A_111 = vector.broadcast %mul3A_2 : i32 to vector<16xi32>
      %add3A_112 = arith.addi %get3A_110, %add3A_111 : vector<16xi32>
      %swap3A_113 = arith.constant 112 : index
      %swap3A_114 = tpu.vector_load %arg7[%swap3A_113] {strides = array<i32>} : memref<128xi32, #tpu.memory_space<vmem>>, vector<16xi32>,
      %swap3A_115 = vector.shape_cast %swap3A_114 : vector<16xi32> to vector<16xi32>
      %swap3A_116 = vector.shape_cast %add3A_112 : vector<16xi32> to vector<16xi32>
      tpu.vector_store %arg7[%swap3A_113], %swap3A_116 {strides = array<i32>} : memref<128xi32, #tpu.memory_space<vmem>>, vector<16xi32>,
      %dma_start3A = arith.constant 0 : i32
      %dma_start3A_117 = arith.constant 0 : i32
      %dma_start3A_118 = tpu.memref_slice %arg2[%dma_start3A, %dma_start3A_117] : memref<20000x128xf32, #tpu.memory_space<hbm>> -> memref<20000x128xf32, #tpu.memory_space<hbm>>
      tpu.enqueue_indirect_dma source(%dma_start3A_118 : memref<20000x128xf32, #tpu.memory_space<hbm>>) target(%arg9 : memref<128x128xf32, #tpu.memory_space<vmem>>) offsets(%arg7 : memref<128xi32, #tpu.memory_space<vmem>>) semaphore(%arg10 : memref<!tpu.dma_semaphore, #tpu.memory_space<semaphore_mem>>)
      %dma_wait3A = arith.constant 0 : i32
      %dma_wait3A_119 = arith.constant 0 : i32
      %dma_wait3A_120 = tpu.memref_slice %arg2[%dma_wait3A, %dma_wait3A_119] : memref<20000x128xf32, #tpu.memory_space<hbm>> -> memref<20000x128xf32, #tpu.memory_space<hbm>>
      tpu.wait_indirect_dma semaphore(%arg10 : memref<!tpu.dma_semaphore, #tpu.memory_space<semaphore_mem>>) src(%dma_wait3A_120 : memref<20000x128xf32, #tpu.memory_space<hbm>>) dst(%arg9 : memref<128x128xf32, #tpu.memory_space<vmem>>)
      %run_scoped3A_121 = arith.constant 0 : i32
      "tpu.region"() ({
        %run_scoped3A_122 = tpu.sem_alloc : memref<!tpu.dma_semaphore, #tpu.memory_space<semaphore_mem>>
        %dma_start3A_123 = arith.constant 0 : i32
        %dma_start3A_124 = tpu.memref_slice %arg8[%run_scoped3A_121, %dma_start3A_123] : memref<1x128xi32, #tpu.memory_space<vmem>> -> memref<1x128xi32, #tpu.memory_space<vmem>>
        %dma_start3A_125 = tpu.memref_squeeze %dma_start3A_124 : memref<1x128xi32, #tpu.memory_space<vmem>> -> memref<128xi32, #tpu.memory_space<vmem>>
        %dma_start3A_126 = arith.constant 0 : i32
        %dma_start3A_127 = arith.constant 0 : i32
        %dma_start3A_128 = tpu.memref_slice %arg11[%dma_start3A_126, %dma_start3A_127] : memref<10240x128xf32, #tpu.memory_space<vmem_shared>> -> memref<10240x128xf32, #tpu.memory_space<vmem_shared>>
        tpu.enqueue_indirect_dma source(%arg9 : memref<128x128xf32, #tpu.memory_space<vmem>>) target(%dma_start3A_128 : memref<10240x128xf32, #tpu.memory_space<vmem_shared>>) offsets(%dma_start3A_125 : memref<128xi32, #tpu.memory_space<vmem>>) semaphore(%run_scoped3A_122 : memref<!tpu.dma_semaphore, #tpu.memory_space<semaphore_mem>>) {add = true}
        %dma_wait3A_129 = arith.constant 0 : i32
        %dma_wait3A_130 = tpu.memref_slice %arg8[%run_scoped3A_121, %dma_wait3A_129] : memref<1x128xi32, #tpu.memory_space<vmem>> -> memref<1x128xi32, #tpu.memory_space<vmem>>
        %dma_wait3A_131 = tpu.memref_squeeze %dma_wait3A_130 : memref<1x128xi32, #tpu.memory_space<vmem>> -> memref<128xi32, #tpu.memory_space<vmem>>
        %dma_wait3A_132 = arith.constant 0 : i32
        %dma_wait3A_133 = arith.constant 0 : i32
        %dma_wait3A_134 = tpu.memref_slice %arg11[%dma_wait3A_132, %dma_wait3A_133] : memref<10240x128xf32, #tpu.memory_space<vmem_shared>> -> memref<10240x128xf32, #tpu.memory_space<vmem_shared>>
        tpu.wait_indirect_dma semaphore(%run_scoped3A_122 : memref<!tpu.dma_semaphore, #tpu.memory_space<semaphore_mem>>) src(%arg9 : memref<128x128xf32, #tpu.memory_space<vmem>>) dst(%dma_wait3A_134 : memref<10240x128xf32, #tpu.memory_space<vmem_shared>>)
        tpu.yield
      }) : () -> ()
    }
    %barrier3A_33 = arith.constant 0 : index
    tpu.barrier barrier_id(%barrier3A_33)
    %mul3A_34 = arith.constant 640 : i32
    %mul3A_35 = arith.muli %arg1, %mul3A_34 : i32
    %mul3A_36 = arith.constant 10240 : i32
    %mul3A_37 = arith.muli %arg0, %mul3A_36 : i32
    %mul3A_38 = arith.constant 640 : i32
    %mul3A_39 = arith.muli %arg1, %mul3A_38 : i32
    %add3A_40 = arith.addi %mul3A_37, %mul3A_39 : i32
    "tpu.region"() ({
      %run_scoped3A = tpu.sem_alloc : memref<!tpu.dma_semaphore, #tpu.memory_space<semaphore_mem>>
      %dma_start3A = arith.constant 0 : i32
      %dma_start3A_41 = tpu.memref_slice %arg6[%add3A_40, %dma_start3A] : memref<20480x128xf32, #tpu.memory_space<hbm>> -> memref<640x128xf32, #tpu.memory_space<hbm>>
      %dma_start3A_42 = arith.constant 0 : i32
      %dma_start3A_43 = tpu.memref_slice %arg11[%mul3A_35, %dma_start3A_42] : memref<10240x128xf32, #tpu.memory_space<vmem_shared>> -> memref<640x128xf32, #tpu.memory_space<vmem_shared>>
      tpu.enqueue_dma source(%dma_start3A_43 : memref<640x128xf32, #tpu.memory_space<vmem_shared>>) target(%dma_start3A_41 : memref<640x128xf32, #tpu.memory_space<hbm>>) target_semaphore(%run_scoped3A : memref<!tpu.dma_semaphore, #tpu.memory_space<semaphore_mem>>)
      %dma_wait3A = arith.constant 0 : i32
      %dma_wait3A_44 = tpu.memref_slice %arg6[%add3A_40, %dma_wait3A] : memref<20480x128xf32, #tpu.memory_space<hbm>> -> memref<640x128xf32, #tpu.memory_space<hbm>>
      %dma_wait3A_45 = arith.constant 0 : i32
      %dma_wait3A_46 = tpu.memref_slice %arg11[%mul3A_35, %dma_wait3A_45] : memref<10240x128xf32, #tpu.memory_space<vmem_shared>> -> memref<640x128xf32, #tpu.memory_space<vmem_shared>>
      tpu.wait_dma2 semaphore(%run_scoped3A : memref<!tpu.dma_semaphore, #tpu.memory_space<semaphore_mem>>) src(%dma_wait3A_46 : memref<640x128xf32, #tpu.memory_space<vmem_shared>>) dst(%dma_wait3A_44 : memref<640x128xf32, #tpu.memory_space<hbm>>)
      tpu.yield
    }) : () -> ()
    return
  }
}

#map = affine_map<(d0, d1) -> (0, 0)>
#map1 = affine_map<(d0, d1) -> (0)>
module attributes {stable_mosaic.version = 14 : i64} {
  func.func @_sc_agg1_body(%arg0: i32, %arg1: i32, %arg2: memref<10000x128xf32, #tpu.memory_space<hbm>>, %arg3: memref<10000x128xf32, #tpu.memory_space<hbm>>, %arg4: memref<320000xi32, #tpu.memory_space<hbm>>, %arg5: memref<320000xi32, #tpu.memory_space<hbm>>, %arg6: memref<640x128xf32, #tpu.memory_space<hbm>>, %arg7: memref<20480x128xf32, #tpu.memory_space<hbm>>, %arg8: memref<20480x128xf32, #tpu.memory_space<hbm>>, %arg9: memref<128xi32, #tpu.memory_space<vmem>>, %arg10: memref<1x128xi32, #tpu.memory_space<vmem>>, %arg11: memref<128x128xf32, #tpu.memory_space<vmem>>, %arg12: memref<!tpu.dma_semaphore, #tpu.memory_space<semaphore_mem>>, %arg13: memref<10240x128xf32, #tpu.memory_space<vmem_shared>>) attributes {dimension_semantics = [#tpu.dimension_semantics<core_parallel>, #tpu.dimension_semantics<subcore_parallel>], iteration_bounds = array<i64: 2, 16>, scalar_prefetch = 0 : i64, scratch_operands = 5 : i64, tpu.core_type = #tpu.core_type<sc_vector_subcore>, window_params = [{transform_indices = #map}, {transform_indices = #map}, {transform_indices = #map1}, {transform_indices = #map1}, {transform_indices = #map}, {transform_indices = #map}, {transform_indices = #map}]} {
    %mul3A = arith.constant 2 : i32
    %mul3A_0 = arith.muli %arg1, %mul3A : i32
    %add3A = arith.addi %mul3A_0, %arg0 : i32
    %mul3A_1 = arith.constant 640 : i32
    %mul3A_2 = arith.muli %arg1, %mul3A_1 : i32
    "tpu.region"() ({
      %run_scoped3A = tpu.sem_alloc : memref<!tpu.dma_semaphore, #tpu.memory_space<semaphore_mem>>
      %dma_start3A = arith.constant 0 : i32
      %dma_start3A_93 = tpu.memref_slice %arg13[%mul3A_2, %dma_start3A] : memref<10240x128xf32, #tpu.memory_space<vmem_shared>> -> memref<640x128xf32, #tpu.memory_space<vmem_shared>>
      tpu.enqueue_dma source(%arg6 : memref<640x128xf32, #tpu.memory_space<hbm>>) target(%dma_start3A_93 : memref<640x128xf32, #tpu.memory_space<vmem_shared>>) target_semaphore(%run_scoped3A : memref<!tpu.dma_semaphore, #tpu.memory_space<semaphore_mem>>)
      %dma_wait3A = arith.constant 0 : i32
      %dma_wait3A_94 = tpu.memref_slice %arg13[%mul3A_2, %dma_wait3A] : memref<10240x128xf32, #tpu.memory_space<vmem_shared>> -> memref<640x128xf32, #tpu.memory_space<vmem_shared>>
      tpu.wait_dma2 semaphore(%run_scoped3A : memref<!tpu.dma_semaphore, #tpu.memory_space<semaphore_mem>>) src(%arg6 : memref<640x128xf32, #tpu.memory_space<hbm>>) dst(%dma_wait3A_94 : memref<640x128xf32, #tpu.memory_space<vmem_shared>>)
      tpu.yield
    }) : () -> ()
    %barrier3A = arith.constant 0 : index
    tpu.barrier barrier_id(%barrier3A)
    %sub3A = arith.constant 2500 : i32
    %sub3A_3 = arith.subi %sub3A, %add3A : i32
    %add3A_4 = arith.constant 32 : i32
    %add3A_5 = arith.addi %sub3A_3, %add3A_4 : i32
    %sub3A_6 = arith.constant 1 : i32
    %sub3A_7 = arith.subi %add3A_5, %sub3A_6 : i32
    %jit3A = arith.constant 32 : i32
    %div3A = arith.divsi %sub3A_7, %jit3A : i32
    %sign3A = arith.constant 0 : i32
    %sign3A_8 = arith.cmpi sgt, %sub3A_7, %sign3A : i32
    %sign3A_9 = arith.extui %sign3A_8 : i1 to i32
    %sign3A_10 = arith.constant 0 : i32
    %sign3A_11 = arith.cmpi slt, %sub3A_7, %sign3A_10 : i32
    %sign3A_12 = arith.extui %sign3A_11 : i1 to i32
    %sign3A_13 = arith.subi %sign3A_9, %sign3A_12 : i32
    %sign3A_14 = arith.constant 0 : i32
    %sign3A_15 = arith.cmpi sgt, %jit3A, %sign3A_14 : i32
    %sign3A_16 = arith.extui %sign3A_15 : i1 to i32
    %sign3A_17 = arith.constant 0 : i32
    %sign3A_18 = arith.cmpi slt, %jit3A, %sign3A_17 : i32
    %sign3A_19 = arith.extui %sign3A_18 : i1 to i32
    %sign3A_20 = arith.subi %sign3A_16, %sign3A_19 : i32
    %ne3A = arith.cmpi ne, %sign3A_13, %sign3A_20 : i32
    %rem3A = arith.remsi %sub3A_7, %jit3A : i32
    %ne3A_21 = arith.constant 0 : i32
    %ne3A_22 = arith.cmpi ne, %rem3A, %ne3A_21 : i32
    %and3A = arith.andi %ne3A, %ne3A_22 : i1
    %sub3A_23 = arith.constant 1 : i32
    %sub3A_24 = arith.subi %div3A, %sub3A_23 : i32
    %select_n3A = arith.select %and3A, %sub3A_24, %div3A : i32
    %while3A = arith.constant 0 : i32
    %while3A_25 = arith.constant 0 : i32
    %while3A_26 = arith.subi %select_n3A, %while3A_25 : i32
    %while3A_27 = arith.addi %while3A_25, %while3A_26 : i32
    %while3A_28 = arith.constant 1 : i32
    %while3A_29 = arith.divsi %while3A_26, %while3A_28 : i32
    %while3A_30 = arith.muli %while3A_29, %while3A_28 : i32
    %while3A_31 = arith.addi %while3A_25, %while3A_30 : i32
    %while3A_32 = arith.constant 1 : i32
    scf.for %while3A_93 = %while3A_25 to %while3A_31 step %while3A_32  : i32 {
      %mul3A_94 = arith.constant 32 : i32
      %mul3A_95 = arith.muli %while3A_93, %mul3A_94 : i32
      %add3A_96 = arith.addi %add3A, %mul3A_95 : i32
      %mul3A_97 = arith.constant 128 : i32
      %mul3A_98 = arith.muli %add3A_96, %mul3A_97 : i32
      "tpu.region"() ({
        %run_scoped3A_104 = tpu.sem_alloc : memref<!tpu.dma_semaphore, #tpu.memory_space<semaphore_mem>>
        %dma_start3A_105 = tpu.memref_slice %arg4[%mul3A_98] : memref<320000xi32, #tpu.memory_space<hbm>> -> memref<128xi32, #tpu.memory_space<hbm>>
        %dma_start3A_106 = tpu.memref_slice %arg4[%mul3A_98] : memref<320000xi32, #tpu.memory_space<hbm>> -> memref<128xi32, #tpu.memory_space<hbm>>
        tpu.enqueue_dma source(%dma_start3A_106 : memref<128xi32, #tpu.memory_space<hbm>>) target(%arg9 : memref<128xi32, #tpu.memory_space<vmem>>) target_semaphore(%run_scoped3A_104 : memref<!tpu.dma_semaphore, #tpu.memory_space<semaphore_mem>>)
        %dma_wait3A_107 = tpu.memref_slice %arg4[%mul3A_98] : memref<320000xi32, #tpu.memory_space<hbm>> -> memref<128xi32, #tpu.memory_space<hbm>>
        %dma_wait3A_108 = tpu.memref_slice %arg4[%mul3A_98] : memref<320000xi32, #tpu.memory_space<hbm>> -> memref<128xi32, #tpu.memory_space<hbm>>
        tpu.wait_dma2 semaphore(%run_scoped3A_104 : memref<!tpu.dma_semaphore, #tpu.memory_space<semaphore_mem>>) src(%dma_wait3A_108 : memref<128xi32, #tpu.memory_space<hbm>>) dst(%arg9 : memref<128xi32, #tpu.memory_space<vmem>>)
        tpu.yield
      }) : () -> ()
      %run_scoped3A = arith.constant 0 : i32
      "tpu.region"() ({
        %run_scoped3A_104 = tpu.sem_alloc : memref<!tpu.dma_semaphore, #tpu.memory_space<semaphore_mem>>
        %dma_start3A_105 = arith.constant 0 : i32
        %dma_start3A_106 = tpu.memref_slice %arg10[%run_scoped3A, %dma_start3A_105] : memref<1x128xi32, #tpu.memory_space<vmem>> -> memref<1x128xi32, #tpu.memory_space<vmem>>
        %dma_start3A_107 = tpu.memref_squeeze %dma_start3A_106 : memref<1x128xi32, #tpu.memory_space<vmem>> -> memref<128xi32, #tpu.memory_space<vmem>>
        %dma_start3A_108 = tpu.memref_slice %arg5[%mul3A_98] : memref<320000xi32, #tpu.memory_space<hbm>> -> memref<128xi32, #tpu.memory_space<hbm>>
        %dma_start3A_109 = arith.constant 0 : i32
        %dma_start3A_110 = tpu.memref_slice %arg10[%run_scoped3A, %dma_start3A_109] : memref<1x128xi32, #tpu.memory_space<vmem>> -> memref<1x128xi32, #tpu.memory_space<vmem>>
        %dma_start3A_111 = tpu.memref_squeeze %dma_start3A_110 : memref<1x128xi32, #tpu.memory_space<vmem>> -> memref<128xi32, #tpu.memory_space<vmem>>
        %dma_start3A_112 = tpu.memref_slice %arg5[%mul3A_98] : memref<320000xi32, #tpu.memory_space<hbm>> -> memref<128xi32, #tpu.memory_space<hbm>>
        tpu.enqueue_dma source(%dma_start3A_112 : memref<128xi32, #tpu.memory_space<hbm>>) target(%dma_start3A_111 : memref<128xi32, #tpu.memory_space<vmem>>) target_semaphore(%run_scoped3A_104 : memref<!tpu.dma_semaphore, #tpu.memory_space<semaphore_mem>>)
        %dma_wait3A_113 = arith.constant 0 : i32
        %dma_wait3A_114 = tpu.memref_slice %arg10[%run_scoped3A, %dma_wait3A_113] : memref<1x128xi32, #tpu.memory_space<vmem>> -> memref<1x128xi32, #tpu.memory_space<vmem>>
        %dma_wait3A_115 = tpu.memref_squeeze %dma_wait3A_114 : memref<1x128xi32, #tpu.memory_space<vmem>> -> memref<128xi32, #tpu.memory_space<vmem>>
        %dma_wait3A_116 = tpu.memref_slice %arg5[%mul3A_98] : memref<320000xi32, #tpu.memory_space<hbm>> -> memref<128xi32, #tpu.memory_space<hbm>>
        %dma_wait3A_117 = arith.constant 0 : i32
        %dma_wait3A_118 = tpu.memref_slice %arg10[%run_scoped3A, %dma_wait3A_117] : memref<1x128xi32, #tpu.memory_space<vmem>> -> memref<1x128xi32, #tpu.memory_space<vmem>>
        %dma_wait3A_119 = tpu.memref_squeeze %dma_wait3A_118 : memref<1x128xi32, #tpu.memory_space<vmem>> -> memref<128xi32, #tpu.memory_space<vmem>>
        %dma_wait3A_120 = tpu.memref_slice %arg5[%mul3A_98] : memref<320000xi32, #tpu.memory_space<hbm>> -> memref<128xi32, #tpu.memory_space<hbm>>
        tpu.wait_dma2 semaphore(%run_scoped3A_104 : memref<!tpu.dma_semaphore, #tpu.memory_space<semaphore_mem>>) src(%dma_wait3A_120 : memref<128xi32, #tpu.memory_space<hbm>>) dst(%dma_wait3A_119 : memref<128xi32, #tpu.memory_space<vmem>>)
        tpu.yield
      }) : () -> ()
      %dma_start3A = arith.constant 0 : i32
      %dma_start3A_99 = arith.constant 0 : i32
      %dma_start3A_100 = tpu.memref_slice %arg2[%dma_start3A, %dma_start3A_99] : memref<10000x128xf32, #tpu.memory_space<hbm>> -> memref<10000x128xf32, #tpu.memory_space<hbm>>
      tpu.enqueue_indirect_dma source(%dma_start3A_100 : memref<10000x128xf32, #tpu.memory_space<hbm>>) target(%arg11 : memref<128x128xf32, #tpu.memory_space<vmem>>) offsets(%arg9 : memref<128xi32, #tpu.memory_space<vmem>>) semaphore(%arg12 : memref<!tpu.dma_semaphore, #tpu.memory_space<semaphore_mem>>)
      %dma_wait3A = arith.constant 0 : i32
      %dma_wait3A_101 = arith.constant 0 : i32
      %dma_wait3A_102 = tpu.memref_slice %arg2[%dma_wait3A, %dma_wait3A_101] : memref<10000x128xf32, #tpu.memory_space<hbm>> -> memref<10000x128xf32, #tpu.memory_space<hbm>>
      tpu.wait_indirect_dma semaphore(%arg12 : memref<!tpu.dma_semaphore, #tpu.memory_space<semaphore_mem>>) src(%dma_wait3A_102 : memref<10000x128xf32, #tpu.memory_space<hbm>>) dst(%arg11 : memref<128x128xf32, #tpu.memory_space<vmem>>)
      %run_scoped3A_103 = arith.constant 0 : i32
      "tpu.region"() ({
        %run_scoped3A_104 = tpu.sem_alloc : memref<!tpu.dma_semaphore, #tpu.memory_space<semaphore_mem>>
        %dma_start3A_105 = arith.constant 0 : i32
        %dma_start3A_106 = tpu.memref_slice %arg10[%run_scoped3A_103, %dma_start3A_105] : memref<1x128xi32, #tpu.memory_space<vmem>> -> memref<1x128xi32, #tpu.memory_space<vmem>>
        %dma_start3A_107 = tpu.memref_squeeze %dma_start3A_106 : memref<1x128xi32, #tpu.memory_space<vmem>> -> memref<128xi32, #tpu.memory_space<vmem>>
        %dma_start3A_108 = arith.constant 0 : i32
        %dma_start3A_109 = arith.constant 0 : i32
        %dma_start3A_110 = tpu.memref_slice %arg13[%dma_start3A_108, %dma_start3A_109] : memref<10240x128xf32, #tpu.memory_space<vmem_shared>> -> memref<10240x128xf32, #tpu.memory_space<vmem_shared>>
        tpu.enqueue_indirect_dma source(%arg11 : memref<128x128xf32, #tpu.memory_space<vmem>>) target(%dma_start3A_110 : memref<10240x128xf32, #tpu.memory_space<vmem_shared>>) offsets(%dma_start3A_107 : memref<128xi32, #tpu.memory_space<vmem>>) semaphore(%run_scoped3A_104 : memref<!tpu.dma_semaphore, #tpu.memory_space<semaphore_mem>>) {add = true}
        %dma_wait3A_111 = arith.constant 0 : i32
        %dma_wait3A_112 = tpu.memref_slice %arg10[%run_scoped3A_103, %dma_wait3A_111] : memref<1x128xi32, #tpu.memory_space<vmem>> -> memref<1x128xi32, #tpu.memory_space<vmem>>
        %dma_wait3A_113 = tpu.memref_squeeze %dma_wait3A_112 : memref<1x128xi32, #tpu.memory_space<vmem>> -> memref<128xi32, #tpu.memory_space<vmem>>
        %dma_wait3A_114 = arith.constant 0 : i32
        %dma_wait3A_115 = arith.constant 0 : i32
        %dma_wait3A_116 = tpu.memref_slice %arg13[%dma_wait3A_114, %dma_wait3A_115] : memref<10240x128xf32, #tpu.memory_space<vmem_shared>> -> memref<10240x128xf32, #tpu.memory_space<vmem_shared>>
        tpu.wait_indirect_dma semaphore(%run_scoped3A_104 : memref<!tpu.dma_semaphore, #tpu.memory_space<semaphore_mem>>) src(%arg11 : memref<128x128xf32, #tpu.memory_space<vmem>>) dst(%dma_wait3A_116 : memref<10240x128xf32, #tpu.memory_space<vmem_shared>>)
        tpu.yield
      }) : () -> ()
    }
    %while3A_33 = arith.constant 1 : i32
    scf.for %while3A_93 = %while3A_31 to %while3A_27 step %while3A_33  : i32 {
      %mul3A_94 = arith.constant 32 : i32
      %mul3A_95 = arith.muli %while3A_93, %mul3A_94 : i32
      %add3A_96 = arith.addi %add3A, %mul3A_95 : i32
      %mul3A_97 = arith.constant 128 : i32
      %mul3A_98 = arith.muli %add3A_96, %mul3A_97 : i32
      "tpu.region"() ({
        %run_scoped3A_104 = tpu.sem_alloc : memref<!tpu.dma_semaphore, #tpu.memory_space<semaphore_mem>>
        %dma_start3A_105 = tpu.memref_slice %arg4[%mul3A_98] : memref<320000xi32, #tpu.memory_space<hbm>> -> memref<128xi32, #tpu.memory_space<hbm>>
        %dma_start3A_106 = tpu.memref_slice %arg4[%mul3A_98] : memref<320000xi32, #tpu.memory_space<hbm>> -> memref<128xi32, #tpu.memory_space<hbm>>
        tpu.enqueue_dma source(%dma_start3A_106 : memref<128xi32, #tpu.memory_space<hbm>>) target(%arg9 : memref<128xi32, #tpu.memory_space<vmem>>) target_semaphore(%run_scoped3A_104 : memref<!tpu.dma_semaphore, #tpu.memory_space<semaphore_mem>>)
        %dma_wait3A_107 = tpu.memref_slice %arg4[%mul3A_98] : memref<320000xi32, #tpu.memory_space<hbm>> -> memref<128xi32, #tpu.memory_space<hbm>>
        %dma_wait3A_108 = tpu.memref_slice %arg4[%mul3A_98] : memref<320000xi32, #tpu.memory_space<hbm>> -> memref<128xi32, #tpu.memory_space<hbm>>
        tpu.wait_dma2 semaphore(%run_scoped3A_104 : memref<!tpu.dma_semaphore, #tpu.memory_space<semaphore_mem>>) src(%dma_wait3A_108 : memref<128xi32, #tpu.memory_space<hbm>>) dst(%arg9 : memref<128xi32, #tpu.memory_space<vmem>>)
        tpu.yield
      }) : () -> ()
      %run_scoped3A = arith.constant 0 : i32
      "tpu.region"() ({
        %run_scoped3A_104 = tpu.sem_alloc : memref<!tpu.dma_semaphore, #tpu.memory_space<semaphore_mem>>
        %dma_start3A_105 = arith.constant 0 : i32
        %dma_start3A_106 = tpu.memref_slice %arg10[%run_scoped3A, %dma_start3A_105] : memref<1x128xi32, #tpu.memory_space<vmem>> -> memref<1x128xi32, #tpu.memory_space<vmem>>
        %dma_start3A_107 = tpu.memref_squeeze %dma_start3A_106 : memref<1x128xi32, #tpu.memory_space<vmem>> -> memref<128xi32, #tpu.memory_space<vmem>>
        %dma_start3A_108 = tpu.memref_slice %arg5[%mul3A_98] : memref<320000xi32, #tpu.memory_space<hbm>> -> memref<128xi32, #tpu.memory_space<hbm>>
        %dma_start3A_109 = arith.constant 0 : i32
        %dma_start3A_110 = tpu.memref_slice %arg10[%run_scoped3A, %dma_start3A_109] : memref<1x128xi32, #tpu.memory_space<vmem>> -> memref<1x128xi32, #tpu.memory_space<vmem>>
        %dma_start3A_111 = tpu.memref_squeeze %dma_start3A_110 : memref<1x128xi32, #tpu.memory_space<vmem>> -> memref<128xi32, #tpu.memory_space<vmem>>
        %dma_start3A_112 = tpu.memref_slice %arg5[%mul3A_98] : memref<320000xi32, #tpu.memory_space<hbm>> -> memref<128xi32, #tpu.memory_space<hbm>>
        tpu.enqueue_dma source(%dma_start3A_112 : memref<128xi32, #tpu.memory_space<hbm>>) target(%dma_start3A_111 : memref<128xi32, #tpu.memory_space<vmem>>) target_semaphore(%run_scoped3A_104 : memref<!tpu.dma_semaphore, #tpu.memory_space<semaphore_mem>>)
        %dma_wait3A_113 = arith.constant 0 : i32
        %dma_wait3A_114 = tpu.memref_slice %arg10[%run_scoped3A, %dma_wait3A_113] : memref<1x128xi32, #tpu.memory_space<vmem>> -> memref<1x128xi32, #tpu.memory_space<vmem>>
        %dma_wait3A_115 = tpu.memref_squeeze %dma_wait3A_114 : memref<1x128xi32, #tpu.memory_space<vmem>> -> memref<128xi32, #tpu.memory_space<vmem>>
        %dma_wait3A_116 = tpu.memref_slice %arg5[%mul3A_98] : memref<320000xi32, #tpu.memory_space<hbm>> -> memref<128xi32, #tpu.memory_space<hbm>>
        %dma_wait3A_117 = arith.constant 0 : i32
        %dma_wait3A_118 = tpu.memref_slice %arg10[%run_scoped3A, %dma_wait3A_117] : memref<1x128xi32, #tpu.memory_space<vmem>> -> memref<1x128xi32, #tpu.memory_space<vmem>>
        %dma_wait3A_119 = tpu.memref_squeeze %dma_wait3A_118 : memref<1x128xi32, #tpu.memory_space<vmem>> -> memref<128xi32, #tpu.memory_space<vmem>>
        %dma_wait3A_120 = tpu.memref_slice %arg5[%mul3A_98] : memref<320000xi32, #tpu.memory_space<hbm>> -> memref<128xi32, #tpu.memory_space<hbm>>
        tpu.wait_dma2 semaphore(%run_scoped3A_104 : memref<!tpu.dma_semaphore, #tpu.memory_space<semaphore_mem>>) src(%dma_wait3A_120 : memref<128xi32, #tpu.memory_space<hbm>>) dst(%dma_wait3A_119 : memref<128xi32, #tpu.memory_space<vmem>>)
        tpu.yield
      }) : () -> ()
      %dma_start3A = arith.constant 0 : i32
      %dma_start3A_99 = arith.constant 0 : i32
      %dma_start3A_100 = tpu.memref_slice %arg2[%dma_start3A, %dma_start3A_99] : memref<10000x128xf32, #tpu.memory_space<hbm>> -> memref<10000x128xf32, #tpu.memory_space<hbm>>
      tpu.enqueue_indirect_dma source(%dma_start3A_100 : memref<10000x128xf32, #tpu.memory_space<hbm>>) target(%arg11 : memref<128x128xf32, #tpu.memory_space<vmem>>) offsets(%arg9 : memref<128xi32, #tpu.memory_space<vmem>>) semaphore(%arg12 : memref<!tpu.dma_semaphore, #tpu.memory_space<semaphore_mem>>)
      %dma_wait3A = arith.constant 0 : i32
      %dma_wait3A_101 = arith.constant 0 : i32
      %dma_wait3A_102 = tpu.memref_slice %arg2[%dma_wait3A, %dma_wait3A_101] : memref<10000x128xf32, #tpu.memory_space<hbm>> -> memref<10000x128xf32, #tpu.memory_space<hbm>>
      tpu.wait_indirect_dma semaphore(%arg12 : memref<!tpu.dma_semaphore, #tpu.memory_space<semaphore_mem>>) src(%dma_wait3A_102 : memref<10000x128xf32, #tpu.memory_space<hbm>>) dst(%arg11 : memref<128x128xf32, #tpu.memory_space<vmem>>)
      %run_scoped3A_103 = arith.constant 0 : i32
      "tpu.region"() ({
        %run_scoped3A_104 = tpu.sem_alloc : memref<!tpu.dma_semaphore, #tpu.memory_space<semaphore_mem>>
        %dma_start3A_105 = arith.constant 0 : i32
        %dma_start3A_106 = tpu.memref_slice %arg10[%run_scoped3A_103, %dma_start3A_105] : memref<1x128xi32, #tpu.memory_space<vmem>> -> memref<1x128xi32, #tpu.memory_space<vmem>>
        %dma_start3A_107 = tpu.memref_squeeze %dma_start3A_106 : memref<1x128xi32, #tpu.memory_space<vmem>> -> memref<128xi32, #tpu.memory_space<vmem>>
        %dma_start3A_108 = arith.constant 0 : i32
        %dma_start3A_109 = arith.constant 0 : i32
        %dma_start3A_110 = tpu.memref_slice %arg13[%dma_start3A_108, %dma_start3A_109] : memref<10240x128xf32, #tpu.memory_space<vmem_shared>> -> memref<10240x128xf32, #tpu.memory_space<vmem_shared>>
        tpu.enqueue_indirect_dma source(%arg11 : memref<128x128xf32, #tpu.memory_space<vmem>>) target(%dma_start3A_110 : memref<10240x128xf32, #tpu.memory_space<vmem_shared>>) offsets(%dma_start3A_107 : memref<128xi32, #tpu.memory_space<vmem>>) semaphore(%run_scoped3A_104 : memref<!tpu.dma_semaphore, #tpu.memory_space<semaphore_mem>>) {add = true}
        %dma_wait3A_111 = arith.constant 0 : i32
        %dma_wait3A_112 = tpu.memref_slice %arg10[%run_scoped3A_103, %dma_wait3A_111] : memref<1x128xi32, #tpu.memory_space<vmem>> -> memref<1x128xi32, #tpu.memory_space<vmem>>
        %dma_wait3A_113 = tpu.memref_squeeze %dma_wait3A_112 : memref<1x128xi32, #tpu.memory_space<vmem>> -> memref<128xi32, #tpu.memory_space<vmem>>
        %dma_wait3A_114 = arith.constant 0 : i32
        %dma_wait3A_115 = arith.constant 0 : i32
        %dma_wait3A_116 = tpu.memref_slice %arg13[%dma_wait3A_114, %dma_wait3A_115] : memref<10240x128xf32, #tpu.memory_space<vmem_shared>> -> memref<10240x128xf32, #tpu.memory_space<vmem_shared>>
        tpu.wait_indirect_dma semaphore(%run_scoped3A_104 : memref<!tpu.dma_semaphore, #tpu.memory_space<semaphore_mem>>) src(%arg11 : memref<128x128xf32, #tpu.memory_space<vmem>>) dst(%dma_wait3A_116 : memref<10240x128xf32, #tpu.memory_space<vmem_shared>>)
        tpu.yield
      }) : () -> ()
    }
    %barrier3A_34 = arith.constant 0 : index
    tpu.barrier barrier_id(%barrier3A_34)
    %mul3A_35 = arith.constant 640 : i32
    %mul3A_36 = arith.muli %arg1, %mul3A_35 : i32
    %mul3A_37 = arith.constant 10240 : i32
    %mul3A_38 = arith.muli %arg0, %mul3A_37 : i32
    %mul3A_39 = arith.constant 640 : i32
    %mul3A_40 = arith.muli %arg1, %mul3A_39 : i32
    %add3A_41 = arith.addi %mul3A_38, %mul3A_40 : i32
    "tpu.region"() ({
      %run_scoped3A = tpu.sem_alloc : memref<!tpu.dma_semaphore, #tpu.memory_space<semaphore_mem>>
      %dma_start3A = arith.constant 0 : i32
      %dma_start3A_93 = tpu.memref_slice %arg7[%add3A_41, %dma_start3A] : memref<20480x128xf32, #tpu.memory_space<hbm>> -> memref<640x128xf32, #tpu.memory_space<hbm>>
      %dma_start3A_94 = arith.constant 0 : i32
      %dma_start3A_95 = tpu.memref_slice %arg13[%mul3A_36, %dma_start3A_94] : memref<10240x128xf32, #tpu.memory_space<vmem_shared>> -> memref<640x128xf32, #tpu.memory_space<vmem_shared>>
      tpu.enqueue_dma source(%dma_start3A_95 : memref<640x128xf32, #tpu.memory_space<vmem_shared>>) target(%dma_start3A_93 : memref<640x128xf32, #tpu.memory_space<hbm>>) target_semaphore(%run_scoped3A : memref<!tpu.dma_semaphore, #tpu.memory_space<semaphore_mem>>)
      %dma_wait3A = arith.constant 0 : i32
      %dma_wait3A_96 = tpu.memref_slice %arg7[%add3A_41, %dma_wait3A] : memref<20480x128xf32, #tpu.memory_space<hbm>> -> memref<640x128xf32, #tpu.memory_space<hbm>>
      %dma_wait3A_97 = arith.constant 0 : i32
      %dma_wait3A_98 = tpu.memref_slice %arg13[%mul3A_36, %dma_wait3A_97] : memref<10240x128xf32, #tpu.memory_space<vmem_shared>> -> memref<640x128xf32, #tpu.memory_space<vmem_shared>>
      tpu.wait_dma2 semaphore(%run_scoped3A : memref<!tpu.dma_semaphore, #tpu.memory_space<semaphore_mem>>) src(%dma_wait3A_98 : memref<640x128xf32, #tpu.memory_space<vmem_shared>>) dst(%dma_wait3A_96 : memref<640x128xf32, #tpu.memory_space<hbm>>)
      tpu.yield
    }) : () -> ()
    %mul3A_42 = arith.constant 640 : i32
    %mul3A_43 = arith.muli %arg1, %mul3A_42 : i32
    "tpu.region"() ({
      %run_scoped3A = tpu.sem_alloc : memref<!tpu.dma_semaphore, #tpu.memory_space<semaphore_mem>>
      %dma_start3A = arith.constant 0 : i32
      %dma_start3A_93 = tpu.memref_slice %arg13[%mul3A_43, %dma_start3A] : memref<10240x128xf32, #tpu.memory_space<vmem_shared>> -> memref<640x128xf32, #tpu.memory_space<vmem_shared>>
      tpu.enqueue_dma source(%arg6 : memref<640x128xf32, #tpu.memory_space<hbm>>) target(%dma_start3A_93 : memref<640x128xf32, #tpu.memory_space<vmem_shared>>) target_semaphore(%run_scoped3A : memref<!tpu.dma_semaphore, #tpu.memory_space<semaphore_mem>>)
      %dma_wait3A = arith.constant 0 : i32
      %dma_wait3A_94 = tpu.memref_slice %arg13[%mul3A_43, %dma_wait3A] : memref<10240x128xf32, #tpu.memory_space<vmem_shared>> -> memref<640x128xf32, #tpu.memory_space<vmem_shared>>
      tpu.wait_dma2 semaphore(%run_scoped3A : memref<!tpu.dma_semaphore, #tpu.memory_space<semaphore_mem>>) src(%arg6 : memref<640x128xf32, #tpu.memory_space<hbm>>) dst(%dma_wait3A_94 : memref<640x128xf32, #tpu.memory_space<vmem_shared>>)
      tpu.yield
    }) : () -> ()
    %barrier3A_44 = arith.constant 0 : index
    tpu.barrier barrier_id(%barrier3A_44)
    %sub3A_45 = arith.constant 2500 : i32
    %sub3A_46 = arith.subi %sub3A_45, %add3A : i32
    %add3A_47 = arith.constant 32 : i32
    %add3A_48 = arith.addi %sub3A_46, %add3A_47 : i32
    %sub3A_49 = arith.constant 1 : i32
    %sub3A_50 = arith.subi %add3A_48, %sub3A_49 : i32
    %jit3A_51 = arith.constant 32 : i32
    %div3A_52 = arith.divsi %sub3A_50, %jit3A_51 : i32
    %sign3A_53 = arith.constant 0 : i32
    %sign3A_54 = arith.cmpi sgt, %sub3A_50, %sign3A_53 : i32
    %sign3A_55 = arith.extui %sign3A_54 : i1 to i32
    %sign3A_56 = arith.constant 0 : i32
    %sign3A_57 = arith.cmpi slt, %sub3A_50, %sign3A_56 : i32
    %sign3A_58 = arith.extui %sign3A_57 : i1 to i32
    %sign3A_59 = arith.subi %sign3A_55, %sign3A_58 : i32
    %sign3A_60 = arith.constant 0 : i32
    %sign3A_61 = arith.cmpi sgt, %jit3A_51, %sign3A_60 : i32
    %sign3A_62 = arith.extui %sign3A_61 : i1 to i32
    %sign3A_63 = arith.constant 0 : i32
    %sign3A_64 = arith.cmpi slt, %jit3A_51, %sign3A_63 : i32
    %sign3A_65 = arith.extui %sign3A_64 : i1 to i32
    %sign3A_66 = arith.subi %sign3A_62, %sign3A_65 : i32
    %ne3A_67 = arith.cmpi ne, %sign3A_59, %sign3A_66 : i32
    %rem3A_68 = arith.remsi %sub3A_50, %jit3A_51 : i32
    %ne3A_69 = arith.constant 0 : i32
    %ne3A_70 = arith.cmpi ne, %rem3A_68, %ne3A_69 : i32
    %and3A_71 = arith.andi %ne3A_67, %ne3A_70 : i1
    %sub3A_72 = arith.constant 1 : i32
    %sub3A_73 = arith.subi %div3A_52, %sub3A_72 : i32
    %select_n3A_74 = arith.select %and3A_71, %sub3A_73, %div3A_52 : i32
    %while3A_75 = arith.constant 0 : i32
    %while3A_76 = arith.constant 0 : i32
    %while3A_77 = arith.subi %select_n3A_74, %while3A_76 : i32
    %while3A_78 = arith.addi %while3A_76, %while3A_77 : i32
    %while3A_79 = arith.constant 1 : i32
    %while3A_80 = arith.divsi %while3A_77, %while3A_79 : i32
    %while3A_81 = arith.muli %while3A_80, %while3A_79 : i32
    %while3A_82 = arith.addi %while3A_76, %while3A_81 : i32
    %while3A_83 = arith.constant 1 : i32
    scf.for %while3A_93 = %while3A_76 to %while3A_82 step %while3A_83  : i32 {
      %mul3A_94 = arith.constant 32 : i32
      %mul3A_95 = arith.muli %while3A_93, %mul3A_94 : i32
      %add3A_96 = arith.addi %add3A, %mul3A_95 : i32
      %mul3A_97 = arith.constant 128 : i32
      %mul3A_98 = arith.muli %add3A_96, %mul3A_97 : i32
      "tpu.region"() ({
        %run_scoped3A_104 = tpu.sem_alloc : memref<!tpu.dma_semaphore, #tpu.memory_space<semaphore_mem>>
        %dma_start3A_105 = tpu.memref_slice %arg4[%mul3A_98] : memref<320000xi32, #tpu.memory_space<hbm>> -> memref<128xi32, #tpu.memory_space<hbm>>
        %dma_start3A_106 = tpu.memref_slice %arg4[%mul3A_98] : memref<320000xi32, #tpu.memory_space<hbm>> -> memref<128xi32, #tpu.memory_space<hbm>>
        tpu.enqueue_dma source(%dma_start3A_106 : memref<128xi32, #tpu.memory_space<hbm>>) target(%arg9 : memref<128xi32, #tpu.memory_space<vmem>>) target_semaphore(%run_scoped3A_104 : memref<!tpu.dma_semaphore, #tpu.memory_space<semaphore_mem>>)
        %dma_wait3A_107 = tpu.memref_slice %arg4[%mul3A_98] : memref<320000xi32, #tpu.memory_space<hbm>> -> memref<128xi32, #tpu.memory_space<hbm>>
        %dma_wait3A_108 = tpu.memref_slice %arg4[%mul3A_98] : memref<320000xi32, #tpu.memory_space<hbm>> -> memref<128xi32, #tpu.memory_space<hbm>>
        tpu.wait_dma2 semaphore(%run_scoped3A_104 : memref<!tpu.dma_semaphore, #tpu.memory_space<semaphore_mem>>) src(%dma_wait3A_108 : memref<128xi32, #tpu.memory_space<hbm>>) dst(%arg9 : memref<128xi32, #tpu.memory_space<vmem>>)
        tpu.yield
      }) : () -> ()
      %run_scoped3A = arith.constant 0 : i32
      "tpu.region"() ({
        %run_scoped3A_104 = tpu.sem_alloc : memref<!tpu.dma_semaphore, #tpu.memory_space<semaphore_mem>>
        %dma_start3A_105 = arith.constant 0 : i32
        %dma_start3A_106 = tpu.memref_slice %arg10[%run_scoped3A, %dma_start3A_105] : memref<1x128xi32, #tpu.memory_space<vmem>> -> memref<1x128xi32, #tpu.memory_space<vmem>>
        %dma_start3A_107 = tpu.memref_squeeze %dma_start3A_106 : memref<1x128xi32, #tpu.memory_space<vmem>> -> memref<128xi32, #tpu.memory_space<vmem>>
        %dma_start3A_108 = tpu.memref_slice %arg5[%mul3A_98] : memref<320000xi32, #tpu.memory_space<hbm>> -> memref<128xi32, #tpu.memory_space<hbm>>
        %dma_start3A_109 = arith.constant 0 : i32
        %dma_start3A_110 = tpu.memref_slice %arg10[%run_scoped3A, %dma_start3A_109] : memref<1x128xi32, #tpu.memory_space<vmem>> -> memref<1x128xi32, #tpu.memory_space<vmem>>
        %dma_start3A_111 = tpu.memref_squeeze %dma_start3A_110 : memref<1x128xi32, #tpu.memory_space<vmem>> -> memref<128xi32, #tpu.memory_space<vmem>>
        %dma_start3A_112 = tpu.memref_slice %arg5[%mul3A_98] : memref<320000xi32, #tpu.memory_space<hbm>> -> memref<128xi32, #tpu.memory_space<hbm>>
        tpu.enqueue_dma source(%dma_start3A_112 : memref<128xi32, #tpu.memory_space<hbm>>) target(%dma_start3A_111 : memref<128xi32, #tpu.memory_space<vmem>>) target_semaphore(%run_scoped3A_104 : memref<!tpu.dma_semaphore, #tpu.memory_space<semaphore_mem>>)
        %dma_wait3A_113 = arith.constant 0 : i32
        %dma_wait3A_114 = tpu.memref_slice %arg10[%run_scoped3A, %dma_wait3A_113] : memref<1x128xi32, #tpu.memory_space<vmem>> -> memref<1x128xi32, #tpu.memory_space<vmem>>
        %dma_wait3A_115 = tpu.memref_squeeze %dma_wait3A_114 : memref<1x128xi32, #tpu.memory_space<vmem>> -> memref<128xi32, #tpu.memory_space<vmem>>
        %dma_wait3A_116 = tpu.memref_slice %arg5[%mul3A_98] : memref<320000xi32, #tpu.memory_space<hbm>> -> memref<128xi32, #tpu.memory_space<hbm>>
        %dma_wait3A_117 = arith.constant 0 : i32
        %dma_wait3A_118 = tpu.memref_slice %arg10[%run_scoped3A, %dma_wait3A_117] : memref<1x128xi32, #tpu.memory_space<vmem>> -> memref<1x128xi32, #tpu.memory_space<vmem>>
        %dma_wait3A_119 = tpu.memref_squeeze %dma_wait3A_118 : memref<1x128xi32, #tpu.memory_space<vmem>> -> memref<128xi32, #tpu.memory_space<vmem>>
        %dma_wait3A_120 = tpu.memref_slice %arg5[%mul3A_98] : memref<320000xi32, #tpu.memory_space<hbm>> -> memref<128xi32, #tpu.memory_space<hbm>>
        tpu.wait_dma2 semaphore(%run_scoped3A_104 : memref<!tpu.dma_semaphore, #tpu.memory_space<semaphore_mem>>) src(%dma_wait3A_120 : memref<128xi32, #tpu.memory_space<hbm>>) dst(%dma_wait3A_119 : memref<128xi32, #tpu.memory_space<vmem>>)
        tpu.yield
      }) : () -> ()
      %dma_start3A = arith.constant 0 : i32
      %dma_start3A_99 = arith.constant 0 : i32
      %dma_start3A_100 = tpu.memref_slice %arg3[%dma_start3A, %dma_start3A_99] : memref<10000x128xf32, #tpu.memory_space<hbm>> -> memref<10000x128xf32, #tpu.memory_space<hbm>>
      tpu.enqueue_indirect_dma source(%dma_start3A_100 : memref<10000x128xf32, #tpu.memory_space<hbm>>) target(%arg11 : memref<128x128xf32, #tpu.memory_space<vmem>>) offsets(%arg9 : memref<128xi32, #tpu.memory_space<vmem>>) semaphore(%arg12 : memref<!tpu.dma_semaphore, #tpu.memory_space<semaphore_mem>>)
      %dma_wait3A = arith.constant 0 : i32
      %dma_wait3A_101 = arith.constant 0 : i32
      %dma_wait3A_102 = tpu.memref_slice %arg3[%dma_wait3A, %dma_wait3A_101] : memref<10000x128xf32, #tpu.memory_space<hbm>> -> memref<10000x128xf32, #tpu.memory_space<hbm>>
      tpu.wait_indirect_dma semaphore(%arg12 : memref<!tpu.dma_semaphore, #tpu.memory_space<semaphore_mem>>) src(%dma_wait3A_102 : memref<10000x128xf32, #tpu.memory_space<hbm>>) dst(%arg11 : memref<128x128xf32, #tpu.memory_space<vmem>>)
      %run_scoped3A_103 = arith.constant 0 : i32
      "tpu.region"() ({
        %run_scoped3A_104 = tpu.sem_alloc : memref<!tpu.dma_semaphore, #tpu.memory_space<semaphore_mem>>
        %dma_start3A_105 = arith.constant 0 : i32
        %dma_start3A_106 = tpu.memref_slice %arg10[%run_scoped3A_103, %dma_start3A_105] : memref<1x128xi32, #tpu.memory_space<vmem>> -> memref<1x128xi32, #tpu.memory_space<vmem>>
        %dma_start3A_107 = tpu.memref_squeeze %dma_start3A_106 : memref<1x128xi32, #tpu.memory_space<vmem>> -> memref<128xi32, #tpu.memory_space<vmem>>
        %dma_start3A_108 = arith.constant 0 : i32
        %dma_start3A_109 = arith.constant 0 : i32
        %dma_start3A_110 = tpu.memref_slice %arg13[%dma_start3A_108, %dma_start3A_109] : memref<10240x128xf32, #tpu.memory_space<vmem_shared>> -> memref<10240x128xf32, #tpu.memory_space<vmem_shared>>
        tpu.enqueue_indirect_dma source(%arg11 : memref<128x128xf32, #tpu.memory_space<vmem>>) target(%dma_start3A_110 : memref<10240x128xf32, #tpu.memory_space<vmem_shared>>) offsets(%dma_start3A_107 : memref<128xi32, #tpu.memory_space<vmem>>) semaphore(%run_scoped3A_104 : memref<!tpu.dma_semaphore, #tpu.memory_space<semaphore_mem>>) {add = true}
        %dma_wait3A_111 = arith.constant 0 : i32
        %dma_wait3A_112 = tpu.memref_slice %arg10[%run_scoped3A_103, %dma_wait3A_111] : memref<1x128xi32, #tpu.memory_space<vmem>> -> memref<1x128xi32, #tpu.memory_space<vmem>>
        %dma_wait3A_113 = tpu.memref_squeeze %dma_wait3A_112 : memref<1x128xi32, #tpu.memory_space<vmem>> -> memref<128xi32, #tpu.memory_space<vmem>>
        %dma_wait3A_114 = arith.constant 0 : i32
        %dma_wait3A_115 = arith.constant 0 : i32
        %dma_wait3A_116 = tpu.memref_slice %arg13[%dma_wait3A_114, %dma_wait3A_115] : memref<10240x128xf32, #tpu.memory_space<vmem_shared>> -> memref<10240x128xf32, #tpu.memory_space<vmem_shared>>
        tpu.wait_indirect_dma semaphore(%run_scoped3A_104 : memref<!tpu.dma_semaphore, #tpu.memory_space<semaphore_mem>>) src(%arg11 : memref<128x128xf32, #tpu.memory_space<vmem>>) dst(%dma_wait3A_116 : memref<10240x128xf32, #tpu.memory_space<vmem_shared>>)
        tpu.yield
      }) : () -> ()
    }
    %while3A_84 = arith.constant 1 : i32
    scf.for %while3A_93 = %while3A_82 to %while3A_78 step %while3A_84  : i32 {
      %mul3A_94 = arith.constant 32 : i32
      %mul3A_95 = arith.muli %while3A_93, %mul3A_94 : i32
      %add3A_96 = arith.addi %add3A, %mul3A_95 : i32
      %mul3A_97 = arith.constant 128 : i32
      %mul3A_98 = arith.muli %add3A_96, %mul3A_97 : i32
      "tpu.region"() ({
        %run_scoped3A_104 = tpu.sem_alloc : memref<!tpu.dma_semaphore, #tpu.memory_space<semaphore_mem>>
        %dma_start3A_105 = tpu.memref_slice %arg4[%mul3A_98] : memref<320000xi32, #tpu.memory_space<hbm>> -> memref<128xi32, #tpu.memory_space<hbm>>
        %dma_start3A_106 = tpu.memref_slice %arg4[%mul3A_98] : memref<320000xi32, #tpu.memory_space<hbm>> -> memref<128xi32, #tpu.memory_space<hbm>>
        tpu.enqueue_dma source(%dma_start3A_106 : memref<128xi32, #tpu.memory_space<hbm>>) target(%arg9 : memref<128xi32, #tpu.memory_space<vmem>>) target_semaphore(%run_scoped3A_104 : memref<!tpu.dma_semaphore, #tpu.memory_space<semaphore_mem>>)
        %dma_wait3A_107 = tpu.memref_slice %arg4[%mul3A_98] : memref<320000xi32, #tpu.memory_space<hbm>> -> memref<128xi32, #tpu.memory_space<hbm>>
        %dma_wait3A_108 = tpu.memref_slice %arg4[%mul3A_98] : memref<320000xi32, #tpu.memory_space<hbm>> -> memref<128xi32, #tpu.memory_space<hbm>>
        tpu.wait_dma2 semaphore(%run_scoped3A_104 : memref<!tpu.dma_semaphore, #tpu.memory_space<semaphore_mem>>) src(%dma_wait3A_108 : memref<128xi32, #tpu.memory_space<hbm>>) dst(%arg9 : memref<128xi32, #tpu.memory_space<vmem>>)
        tpu.yield
      }) : () -> ()
      %run_scoped3A = arith.constant 0 : i32
      "tpu.region"() ({
        %run_scoped3A_104 = tpu.sem_alloc : memref<!tpu.dma_semaphore, #tpu.memory_space<semaphore_mem>>
        %dma_start3A_105 = arith.constant 0 : i32
        %dma_start3A_106 = tpu.memref_slice %arg10[%run_scoped3A, %dma_start3A_105] : memref<1x128xi32, #tpu.memory_space<vmem>> -> memref<1x128xi32, #tpu.memory_space<vmem>>
        %dma_start3A_107 = tpu.memref_squeeze %dma_start3A_106 : memref<1x128xi32, #tpu.memory_space<vmem>> -> memref<128xi32, #tpu.memory_space<vmem>>
        %dma_start3A_108 = tpu.memref_slice %arg5[%mul3A_98] : memref<320000xi32, #tpu.memory_space<hbm>> -> memref<128xi32, #tpu.memory_space<hbm>>
        %dma_start3A_109 = arith.constant 0 : i32
        %dma_start3A_110 = tpu.memref_slice %arg10[%run_scoped3A, %dma_start3A_109] : memref<1x128xi32, #tpu.memory_space<vmem>> -> memref<1x128xi32, #tpu.memory_space<vmem>>
        %dma_start3A_111 = tpu.memref_squeeze %dma_start3A_110 : memref<1x128xi32, #tpu.memory_space<vmem>> -> memref<128xi32, #tpu.memory_space<vmem>>
        %dma_start3A_112 = tpu.memref_slice %arg5[%mul3A_98] : memref<320000xi32, #tpu.memory_space<hbm>> -> memref<128xi32, #tpu.memory_space<hbm>>
        tpu.enqueue_dma source(%dma_start3A_112 : memref<128xi32, #tpu.memory_space<hbm>>) target(%dma_start3A_111 : memref<128xi32, #tpu.memory_space<vmem>>) target_semaphore(%run_scoped3A_104 : memref<!tpu.dma_semaphore, #tpu.memory_space<semaphore_mem>>)
        %dma_wait3A_113 = arith.constant 0 : i32
        %dma_wait3A_114 = tpu.memref_slice %arg10[%run_scoped3A, %dma_wait3A_113] : memref<1x128xi32, #tpu.memory_space<vmem>> -> memref<1x128xi32, #tpu.memory_space<vmem>>
        %dma_wait3A_115 = tpu.memref_squeeze %dma_wait3A_114 : memref<1x128xi32, #tpu.memory_space<vmem>> -> memref<128xi32, #tpu.memory_space<vmem>>
        %dma_wait3A_116 = tpu.memref_slice %arg5[%mul3A_98] : memref<320000xi32, #tpu.memory_space<hbm>> -> memref<128xi32, #tpu.memory_space<hbm>>
        %dma_wait3A_117 = arith.constant 0 : i32
        %dma_wait3A_118 = tpu.memref_slice %arg10[%run_scoped3A, %dma_wait3A_117] : memref<1x128xi32, #tpu.memory_space<vmem>> -> memref<1x128xi32, #tpu.memory_space<vmem>>
        %dma_wait3A_119 = tpu.memref_squeeze %dma_wait3A_118 : memref<1x128xi32, #tpu.memory_space<vmem>> -> memref<128xi32, #tpu.memory_space<vmem>>
        %dma_wait3A_120 = tpu.memref_slice %arg5[%mul3A_98] : memref<320000xi32, #tpu.memory_space<hbm>> -> memref<128xi32, #tpu.memory_space<hbm>>
        tpu.wait_dma2 semaphore(%run_scoped3A_104 : memref<!tpu.dma_semaphore, #tpu.memory_space<semaphore_mem>>) src(%dma_wait3A_120 : memref<128xi32, #tpu.memory_space<hbm>>) dst(%dma_wait3A_119 : memref<128xi32, #tpu.memory_space<vmem>>)
        tpu.yield
      }) : () -> ()
      %dma_start3A = arith.constant 0 : i32
      %dma_start3A_99 = arith.constant 0 : i32
      %dma_start3A_100 = tpu.memref_slice %arg3[%dma_start3A, %dma_start3A_99] : memref<10000x128xf32, #tpu.memory_space<hbm>> -> memref<10000x128xf32, #tpu.memory_space<hbm>>
      tpu.enqueue_indirect_dma source(%dma_start3A_100 : memref<10000x128xf32, #tpu.memory_space<hbm>>) target(%arg11 : memref<128x128xf32, #tpu.memory_space<vmem>>) offsets(%arg9 : memref<128xi32, #tpu.memory_space<vmem>>) semaphore(%arg12 : memref<!tpu.dma_semaphore, #tpu.memory_space<semaphore_mem>>)
      %dma_wait3A = arith.constant 0 : i32
      %dma_wait3A_101 = arith.constant 0 : i32
      %dma_wait3A_102 = tpu.memref_slice %arg3[%dma_wait3A, %dma_wait3A_101] : memref<10000x128xf32, #tpu.memory_space<hbm>> -> memref<10000x128xf32, #tpu.memory_space<hbm>>
      tpu.wait_indirect_dma semaphore(%arg12 : memref<!tpu.dma_semaphore, #tpu.memory_space<semaphore_mem>>) src(%dma_wait3A_102 : memref<10000x128xf32, #tpu.memory_space<hbm>>) dst(%arg11 : memref<128x128xf32, #tpu.memory_space<vmem>>)
      %run_scoped3A_103 = arith.constant 0 : i32
      "tpu.region"() ({
        %run_scoped3A_104 = tpu.sem_alloc : memref<!tpu.dma_semaphore, #tpu.memory_space<semaphore_mem>>
        %dma_start3A_105 = arith.constant 0 : i32
        %dma_start3A_106 = tpu.memref_slice %arg10[%run_scoped3A_103, %dma_start3A_105] : memref<1x128xi32, #tpu.memory_space<vmem>> -> memref<1x128xi32, #tpu.memory_space<vmem>>
        %dma_start3A_107 = tpu.memref_squeeze %dma_start3A_106 : memref<1x128xi32, #tpu.memory_space<vmem>> -> memref<128xi32, #tpu.memory_space<vmem>>
        %dma_start3A_108 = arith.constant 0 : i32
        %dma_start3A_109 = arith.constant 0 : i32
        %dma_start3A_110 = tpu.memref_slice %arg13[%dma_start3A_108, %dma_start3A_109] : memref<10240x128xf32, #tpu.memory_space<vmem_shared>> -> memref<10240x128xf32, #tpu.memory_space<vmem_shared>>
        tpu.enqueue_indirect_dma source(%arg11 : memref<128x128xf32, #tpu.memory_space<vmem>>) target(%dma_start3A_110 : memref<10240x128xf32, #tpu.memory_space<vmem_shared>>) offsets(%dma_start3A_107 : memref<128xi32, #tpu.memory_space<vmem>>) semaphore(%run_scoped3A_104 : memref<!tpu.dma_semaphore, #tpu.memory_space<semaphore_mem>>) {add = true}
        %dma_wait3A_111 = arith.constant 0 : i32
        %dma_wait3A_112 = tpu.memref_slice %arg10[%run_scoped3A_103, %dma_wait3A_111] : memref<1x128xi32, #tpu.memory_space<vmem>> -> memref<1x128xi32, #tpu.memory_space<vmem>>
        %dma_wait3A_113 = tpu.memref_squeeze %dma_wait3A_112 : memref<1x128xi32, #tpu.memory_space<vmem>> -> memref<128xi32, #tpu.memory_space<vmem>>
        %dma_wait3A_114 = arith.constant 0 : i32
        %dma_wait3A_115 = arith.constant 0 : i32
        %dma_wait3A_116 = tpu.memref_slice %arg13[%dma_wait3A_114, %dma_wait3A_115] : memref<10240x128xf32, #tpu.memory_space<vmem_shared>> -> memref<10240x128xf32, #tpu.memory_space<vmem_shared>>
        tpu.wait_indirect_dma semaphore(%run_scoped3A_104 : memref<!tpu.dma_semaphore, #tpu.memory_space<semaphore_mem>>) src(%arg11 : memref<128x128xf32, #tpu.memory_space<vmem>>) dst(%dma_wait3A_116 : memref<10240x128xf32, #tpu.memory_space<vmem_shared>>)
        tpu.yield
      }) : () -> ()
    }
    %barrier3A_85 = arith.constant 0 : index
    tpu.barrier barrier_id(%barrier3A_85)
    %mul3A_86 = arith.constant 640 : i32
    %mul3A_87 = arith.muli %arg1, %mul3A_86 : i32
    %mul3A_88 = arith.constant 10240 : i32
    %mul3A_89 = arith.muli %arg0, %mul3A_88 : i32
    %mul3A_90 = arith.constant 640 : i32
    %mul3A_91 = arith.muli %arg1, %mul3A_90 : i32
    %add3A_92 = arith.addi %mul3A_89, %mul3A_91 : i32
    "tpu.region"() ({
      %run_scoped3A = tpu.sem_alloc : memref<!tpu.dma_semaphore, #tpu.memory_space<semaphore_mem>>
      %dma_start3A = arith.constant 0 : i32
      %dma_start3A_93 = tpu.memref_slice %arg8[%add3A_92, %dma_start3A] : memref<20480x128xf32, #tpu.memory_space<hbm>> -> memref<640x128xf32, #tpu.memory_space<hbm>>
      %dma_start3A_94 = arith.constant 0 : i32
      %dma_start3A_95 = tpu.memref_slice %arg13[%mul3A_87, %dma_start3A_94] : memref<10240x128xf32, #tpu.memory_space<vmem_shared>> -> memref<640x128xf32, #tpu.memory_space<vmem_shared>>
      tpu.enqueue_dma source(%dma_start3A_95 : memref<640x128xf32, #tpu.memory_space<vmem_shared>>) target(%dma_start3A_93 : memref<640x128xf32, #tpu.memory_space<hbm>>) target_semaphore(%run_scoped3A : memref<!tpu.dma_semaphore, #tpu.memory_space<semaphore_mem>>)
      %dma_wait3A = arith.constant 0 : i32
      %dma_wait3A_96 = tpu.memref_slice %arg8[%add3A_92, %dma_wait3A] : memref<20480x128xf32, #tpu.memory_space<hbm>> -> memref<640x128xf32, #tpu.memory_space<hbm>>
      %dma_wait3A_97 = arith.constant 0 : i32
      %dma_wait3A_98 = tpu.memref_slice %arg13[%mul3A_87, %dma_wait3A_97] : memref<10240x128xf32, #tpu.memory_space<vmem_shared>> -> memref<640x128xf32, #tpu.memory_space<vmem_shared>>
      tpu.wait_dma2 semaphore(%run_scoped3A : memref<!tpu.dma_semaphore, #tpu.memory_space<semaphore_mem>>) src(%dma_wait3A_98 : memref<640x128xf32, #tpu.memory_space<vmem_shared>>) dst(%dma_wait3A_96 : memref<640x128xf32, #tpu.memory_space<hbm>>)
      tpu.yield
    }) : () -> ()
    return
  }
}

module attributes {stable_mosaic.version = 14 : i64} {
  func.func @_layer1_body(%arg0: i32, %arg1: i32, %arg2: memref<1x4xf32, #tpu.memory_space<vmem>>, %arg3: memref<1000x128xf32, #tpu.memory_space<vmem>>, %arg4: memref<2x1000x128xf32, #tpu.memory_space<vmem>>, %arg5: memref<1x1000x64xf32, #tpu.memory_space<vmem>>, %arg6: memref<2x1000x128xf32, #tpu.memory_space<vmem>>, %arg7: memref<128x128xf32, #tpu.memory_space<vmem>>, %arg8: memref<64x128xf32, #tpu.memory_space<vmem>>, %arg9: memref<1x128xf32, #tpu.memory_space<vmem>>, %arg10: memref<1x1000x128xf32, #tpu.memory_space<vmem>>) attributes {dimension_semantics = [#tpu.dimension_semantics<arbitrary>, #tpu.dimension_semantics<arbitrary>], iteration_bounds = array<i64: 2, 10>, scalar_prefetch = 0 : i64, scratch_operands = 0 : i64, tpu.core_type = #tpu.core_type<tc>, window_params = [{pipeline_mode = #tpu.pipeline_mode<synchronous>, transform_indices = @transform_0, window_bounds = array<i64: 1, 4>}, {transform_indices = @transform_1, window_bounds = array<i64: 1000, 128>}, {transform_indices = @transform_2, window_bounds = array<i64: 2, 1000, 128>}, {transform_indices = @transform_3, window_bounds = array<i64: 1, 1000, 64>}, {transform_indices = @transform_4, window_bounds = array<i64: 2, 1000, 128>}, {pipeline_mode = #tpu.pipeline_mode<synchronous>, transform_indices = @transform_5, window_bounds = array<i64: 128, 128>}, {pipeline_mode = #tpu.pipeline_mode<synchronous>, transform_indices = @transform_6, window_bounds = array<i64: 64, 128>}, {pipeline_mode = #tpu.pipeline_mode<synchronous>, transform_indices = @transform_7, window_bounds = array<i64: 1, 128>}, {transform_indices = @transform_8, window_bounds = array<i64: 1, 1000, 128>}]} {
    %get3A = arith.constant 0 : index
    %get3A_0 = arith.constant 0 : index
    %get3A_1 = vector.load %arg2[%get3A, %get3A_0] : memref<1x4xf32, #tpu.memory_space<vmem>>, vector<1x1xf32>
    %get3A_2 = vector.extract %get3A_1[0, 0] : f32 from vector<1x1xf32>
    %get3A_3 = arith.constant 0 : index
    %get3A_4 = arith.constant 0 : index
    %get3A_5 = vector.load %arg3[%get3A_3, %get3A_4] : memref<1000x128xf32, #tpu.memory_space<vmem>>, vector<1000x128xf32>
    %mul3A = vector.broadcast %get3A_2 : f32 to vector<1000x128xf32>
    %mul3A_6 = arith.mulf %mul3A, %get3A_5 : vector<1000x128xf32>
    %get3A_7 = arith.constant 0 : index
    %get3A_8 = arith.constant 0 : index
    %get3A_9 = arith.constant 0 : index
    %get3A_10 = vector.load %arg4[%get3A_7, %get3A_8, %get3A_9] : memref<2x1000x128xf32, #tpu.memory_space<vmem>>, vector<1x1000x128xf32>
    %get3A_11 = vector.shape_cast %get3A_10 : vector<1x1000x128xf32> to vector<1000x128xf32>
    %add3A = arith.addf %mul3A_6, %get3A_11 : vector<1000x128xf32>
    %get3A_12 = arith.constant 1 : index
    %get3A_13 = arith.constant 0 : index
    %get3A_14 = arith.constant 0 : index
    %get3A_15 = vector.load %arg4[%get3A_12, %get3A_13, %get3A_14] : memref<2x1000x128xf32, #tpu.memory_space<vmem>>, vector<1x1000x128xf32>
    %get3A_16 = vector.shape_cast %get3A_15 : vector<1x1000x128xf32> to vector<1000x128xf32>
    %add3A_17 = arith.addf %add3A, %get3A_16 : vector<1000x128xf32>
    %get3A_18 = arith.constant 0 : index
    %get3A_19 = arith.constant 0 : index
    %get3A_20 = arith.constant 0 : index
    %get3A_21 = vector.load %arg6[%get3A_18, %get3A_19, %get3A_20] : memref<2x1000x128xf32, #tpu.memory_space<vmem>>, vector<1x1000x128xf32>
    %get3A_22 = vector.shape_cast %get3A_21 : vector<1x1000x128xf32> to vector<1000x128xf32>
    %get3A_23 = arith.constant 1 : index
    %get3A_24 = arith.constant 0 : index
    %get3A_25 = arith.constant 0 : index
    %get3A_26 = vector.load %arg6[%get3A_23, %get3A_24, %get3A_25] : memref<2x1000x128xf32, #tpu.memory_space<vmem>>, vector<1x1000x128xf32>
    %get3A_27 = vector.shape_cast %get3A_26 : vector<1x1000x128xf32> to vector<1000x128xf32>
    %add3A_28 = arith.addf %get3A_22, %get3A_27 : vector<1000x128xf32>
    %get3A_29 = arith.constant 0 : index
    %get3A_30 = arith.constant 0 : index
    %get3A_31 = arith.constant 0 : index
    %get3A_32 = vector.load %arg5[%get3A_29, %get3A_30, %get3A_31] : memref<1x1000x64xf32, #tpu.memory_space<vmem>>, vector<1x1000x64xf32>
    %get3A_33 = vector.shape_cast %get3A_32 : vector<1x1000x64xf32> to vector<1000x64xf32>
    %mul3A_34 = vector.broadcast %get3A_2 : f32 to vector<1000x64xf32>
    %mul3A_35 = arith.mulf %mul3A_34, %get3A_33 : vector<1000x64xf32>
    %eq3A = arith.constant 0 : i32
    %eq3A_36 = arith.cmpi eq, %arg0, %eq3A : i32
    %slice3A = vector.extract_strided_slice %add3A_28 {offsets = [0, 0], sizes = [1000, 64], strides = [1, 1]} : vector<1000x128xf32> to vector<1000x64xf32>
    %slice3A_37 = vector.extract_strided_slice %add3A_28 {offsets = [0, 64], sizes = [1000, 64], strides = [1, 1]} : vector<1000x128xf32> to vector<1000x64xf32>
    %select_n3A = arith.select %eq3A_36, %slice3A, %slice3A_37 : vector<1000x64xf32>
    %add3A_38 = arith.addf %mul3A_35, %select_n3A : vector<1000x64xf32>
    %get3A_39 = arith.constant 0 : index
    %get3A_40 = arith.constant 0 : index
    %get3A_41 = vector.load %arg7[%get3A_39, %get3A_40] : memref<128x128xf32, #tpu.memory_space<vmem>>, vector<128x128xf32>
    %dot_general3A = arith.constant dense<0.000000e+00> : vector<1000x128xf32>
    %dot_general3A_42 = tpu.matmul %add3A_17, %get3A_41, %dot_general3A {dimension_numbers = #tpu.dot_dimension_numbers<[1], [0], [0], [1], [0, 0, 1, 1], [], []>, transpose_lhs_hint = false} : vector<1000x128xf32>, vector<128x128xf32>, vector<1000x128xf32> -> vector<1000x128xf32>
    %get3A_43 = arith.constant 0 : index
    %get3A_44 = arith.constant 0 : index
    %get3A_45 = vector.load %arg8[%get3A_43, %get3A_44] : memref<64x128xf32, #tpu.memory_space<vmem>>, vector<64x128xf32>
    %dot_general3A_46 = arith.constant dense<0.000000e+00> : vector<1000x128xf32>
    %dot_general3A_47 = tpu.matmul %add3A_38, %get3A_45, %dot_general3A_46 {dimension_numbers = #tpu.dot_dimension_numbers<[1], [0], [0], [1], [0, 0, 1, 1], [], []>, transpose_lhs_hint = false} : vector<1000x64xf32>, vector<64x128xf32>, vector<1000x128xf32> -> vector<1000x128xf32>
    %add3A_48 = arith.addf %dot_general3A_42, %dot_general3A_47 : vector<1000x128xf32>
    %get3A_49 = arith.constant 0 : index
    %get3A_50 = arith.constant 0 : index
    %get3A_51 = vector.load %arg9[%get3A_49, %get3A_50] : memref<1x128xf32, #tpu.memory_space<vmem>>, vector<1x128xf32>
    %add3A_52 = vector.broadcast %get3A_51 : vector<1x128xf32> to vector<1000x128xf32>
    %add3A_53 = arith.addf %add3A_48, %add3A_52 : vector<1000x128xf32>
    %max3A = arith.constant 0.000000e+00 : f32
    %max3A_54 = vector.broadcast %max3A : f32 to vector<1000x128xf32>
    %max3A_55 = arith.maximumf %add3A_53, %max3A_54 : vector<1000x128xf32>
    %swap3A = arith.constant 0 : index
    %swap3A_56 = arith.constant 0 : index
    %swap3A_57 = arith.constant 0 : index
    %swap3A_58 = vector.load %arg10[%swap3A, %swap3A_56, %swap3A_57] : memref<1x1000x128xf32, #tpu.memory_space<vmem>>, vector<1x1000x128xf32>
    %swap3A_59 = vector.shape_cast %swap3A_58 : vector<1x1000x128xf32> to vector<1000x128xf32>
    %swap3A_60 = vector.shape_cast %max3A_55 : vector<1000x128xf32> to vector<1x1000x128xf32>
    tpu.vector_store %arg10[%swap3A, %swap3A_56, %swap3A_57], %swap3A_60 {strides = array<i32>} : memref<1x1000x128xf32, #tpu.memory_space<vmem>>, vector<1x1000x128xf32>,
    return
  }
  func.func @transform_0(%arg0: i32, %arg1: i32) -> (i32, i32) {
    %c0_i32 = arith.constant 0 : i32
    %c0_i32_0 = arith.constant 0 : i32
    %c0_i32_1 = arith.constant 0 : i32
    return %c0_i32, %c0_i32_0 : i32, i32
  }
  func.func @transform_1(%arg0: i32, %arg1: i32) -> (i32, i32) {
    %c0_i32 = arith.constant 0 : i32
    %c0_i32_0 = arith.constant 0 : i32
    return %arg1, %c0_i32 : i32, i32
  }
  func.func @transform_2(%arg0: i32, %arg1: i32) -> (i32, i32, i32) {
    %c0_i32 = arith.constant 0 : i32
    %c0_i32_0 = arith.constant 0 : i32
    %c0_i32_1 = arith.constant 0 : i32
    return %c0_i32, %arg1, %c0_i32_0 : i32, i32, i32
  }
  func.func @transform_3(%arg0: i32, %arg1: i32) -> (i32, i32, i32) {
    %c0_i32 = arith.constant 0 : i32
    %c0_i32_0 = arith.constant 0 : i32
    return %arg0, %arg1, %c0_i32 : i32, i32, i32
  }
  func.func @transform_4(%arg0: i32, %arg1: i32) -> (i32, i32, i32) {
    %c0_i32 = arith.constant 0 : i32
    %c0_i32_0 = arith.constant 0 : i32
    %c0_i32_1 = arith.constant 0 : i32
    return %c0_i32, %arg1, %c0_i32_0 : i32, i32, i32
  }
  func.func @transform_5(%arg0: i32, %arg1: i32) -> (i32, i32) {
    %c0_i32 = arith.constant 0 : i32
    %c0_i32_0 = arith.constant 0 : i32
    %c0_i32_1 = arith.constant 0 : i32
    return %c0_i32, %c0_i32_0 : i32, i32
  }
  func.func @transform_6(%arg0: i32, %arg1: i32) -> (i32, i32) {
    %c0_i32 = arith.constant 0 : i32
    %c0_i32_0 = arith.constant 0 : i32
    %c0_i32_1 = arith.constant 0 : i32
    return %c0_i32, %c0_i32_0 : i32, i32
  }
  func.func @transform_7(%arg0: i32, %arg1: i32) -> (i32, i32) {
    %c0_i32 = arith.constant 0 : i32
    %c0_i32_0 = arith.constant 0 : i32
    %c0_i32_1 = arith.constant 0 : i32
    return %c0_i32, %c0_i32_0 : i32, i32
  }
  func.func @transform_8(%arg0: i32, %arg1: i32) -> (i32, i32, i32) {
    %c0_i32 = arith.constant 0 : i32
    %c0_i32_0 = arith.constant 0 : i32
    return %arg0, %arg1, %c0_i32 : i32, i32, i32
  }
}

module attributes {stable_mosaic.version = 14 : i64} {
  func.func @_layer2_body(%arg0: i32, %arg1: i32, %arg2: memref<1x4xf32, #tpu.memory_space<vmem>>, %arg3: memref<1x1000x128xf32, #tpu.memory_space<vmem>>, %arg4: memref<1x1000x128xf32, #tpu.memory_space<vmem>>, %arg5: memref<128x64xf32, #tpu.memory_space<vmem>>, %arg6: memref<128x64xf32, #tpu.memory_space<vmem>>, %arg7: memref<1x64xf32, #tpu.memory_space<vmem>>, %arg8: memref<1x64xf32, #tpu.memory_space<vmem>>, %arg9: memref<1x1000x64xf32, #tpu.memory_space<vmem>>) attributes {dimension_semantics = [#tpu.dimension_semantics<arbitrary>, #tpu.dimension_semantics<arbitrary>], iteration_bounds = array<i64: 2, 10>, scalar_prefetch = 0 : i64, scratch_operands = 0 : i64, tpu.core_type = #tpu.core_type<tc>, window_params = [{pipeline_mode = #tpu.pipeline_mode<synchronous>, transform_indices = @transform_0, window_bounds = array<i64: 1, 4>}, {transform_indices = @transform_1, window_bounds = array<i64: 1, 1000, 128>}, {transform_indices = @transform_2, window_bounds = array<i64: 1, 1000, 128>}, {pipeline_mode = #tpu.pipeline_mode<synchronous>, transform_indices = @transform_3, window_bounds = array<i64: 128, 64>}, {pipeline_mode = #tpu.pipeline_mode<synchronous>, transform_indices = @transform_4, window_bounds = array<i64: 128, 64>}, {pipeline_mode = #tpu.pipeline_mode<synchronous>, transform_indices = @transform_5, window_bounds = array<i64: 1, 64>}, {pipeline_mode = #tpu.pipeline_mode<synchronous>, transform_indices = @transform_6, window_bounds = array<i64: 1, 64>}, {transform_indices = @transform_7, window_bounds = array<i64: 1, 1000, 64>}]} {
    %get3A = arith.constant 0 : index
    %get3A_0 = arith.constant 1 : index
    %get3A_1 = vector.load %arg2[%get3A, %get3A_0] : memref<1x4xf32, #tpu.memory_space<vmem>>, vector<1x1xf32>
    %get3A_2 = vector.extract %get3A_1[0, 0] : f32 from vector<1x1xf32>
    %get3A_3 = arith.constant 0 : index
    %get3A_4 = arith.constant 2 : index
    %get3A_5 = vector.load %arg2[%get3A_3, %get3A_4] : memref<1x4xf32, #tpu.memory_space<vmem>>, vector<1x1xf32>
    %get3A_6 = vector.extract %get3A_5[0, 0] : f32 from vector<1x1xf32>
    %get3A_7 = arith.constant 0 : index
    %get3A_8 = arith.constant 3 : index
    %get3A_9 = vector.load %arg2[%get3A_7, %get3A_8] : memref<1x4xf32, #tpu.memory_space<vmem>>, vector<1x1xf32>
    %get3A_10 = vector.extract %get3A_9[0, 0] : f32 from vector<1x1xf32>
    %get3A_11 = arith.constant 0 : index
    %get3A_12 = arith.constant 0 : index
    %get3A_13 = arith.constant 0 : index
    %get3A_14 = vector.load %arg3[%get3A_11, %get3A_12, %get3A_13] : memref<1x1000x128xf32, #tpu.memory_space<vmem>>, vector<1x1000x128xf32>
    %get3A_15 = vector.shape_cast %get3A_14 : vector<1x1000x128xf32> to vector<1000x128xf32>
    %get3A_16 = arith.constant 0 : index
    %get3A_17 = arith.constant 0 : index
    %get3A_18 = arith.constant 0 : index
    %get3A_19 = vector.load %arg4[%get3A_16, %get3A_17, %get3A_18] : memref<1x1000x128xf32, #tpu.memory_space<vmem>>, vector<1x1000x128xf32>
    %get3A_20 = vector.shape_cast %get3A_19 : vector<1x1000x128xf32> to vector<1000x128xf32>
    %mul3A = vector.broadcast %get3A_2 : f32 to vector<1000x128xf32>
    %mul3A_21 = arith.mulf %mul3A, %get3A_15 : vector<1000x128xf32>
    %add3A = arith.addf %mul3A_21, %get3A_20 : vector<1000x128xf32>
    %get3A_22 = arith.constant 0 : index
    %get3A_23 = arith.constant 0 : index
    %get3A_24 = vector.load %arg5[%get3A_22, %get3A_23] : memref<128x64xf32, #tpu.memory_space<vmem>>, vector<128x64xf32>
    %dot_general3A = arith.constant dense<0.000000e+00> : vector<1000x64xf32>
    %dot_general3A_25 = tpu.matmul %add3A, %get3A_24, %dot_general3A {dimension_numbers = #tpu.dot_dimension_numbers<[1], [0], [0], [1], [0, 0, 1, 1], [], []>, transpose_lhs_hint = false} : vector<1000x128xf32>, vector<128x64xf32>, vector<1000x64xf32> -> vector<1000x64xf32>
    %get3A_26 = arith.constant 0 : index
    %get3A_27 = arith.constant 0 : index
    %get3A_28 = vector.load %arg7[%get3A_26, %get3A_27] : memref<1x64xf32, #tpu.memory_space<vmem>>, vector<1x64xf32>
    %add3A_29 = vector.broadcast %get3A_28 : vector<1x64xf32> to vector<1000x64xf32>
    %add3A_30 = arith.addf %dot_general3A_25, %add3A_29 : vector<1000x64xf32>
    %mul3A_31 = vector.broadcast %get3A_6 : f32 to vector<1000x128xf32>
    %mul3A_32 = arith.mulf %mul3A_31, %get3A_15 : vector<1000x128xf32>
    %add3A_33 = arith.addf %mul3A_32, %get3A_20 : vector<1000x128xf32>
    %get3A_34 = arith.constant 0 : index
    %get3A_35 = arith.constant 0 : index
    %get3A_36 = vector.load %arg6[%get3A_34, %get3A_35] : memref<128x64xf32, #tpu.memory_space<vmem>>, vector<128x64xf32>
    %dot_general3A_37 = arith.constant dense<0.000000e+00> : vector<1000x64xf32>
    %dot_general3A_38 = tpu.matmul %add3A_33, %get3A_36, %dot_general3A_37 {dimension_numbers = #tpu.dot_dimension_numbers<[1], [0], [0], [1], [0, 0, 1, 1], [], []>, transpose_lhs_hint = false} : vector<1000x128xf32>, vector<128x64xf32>, vector<1000x64xf32> -> vector<1000x64xf32>
    %get3A_39 = arith.constant 0 : index
    %get3A_40 = arith.constant 0 : index
    %get3A_41 = vector.load %arg8[%get3A_39, %get3A_40] : memref<1x64xf32, #tpu.memory_space<vmem>>, vector<1x64xf32>
    %add3A_42 = vector.broadcast %get3A_41 : vector<1x64xf32> to vector<1000x64xf32>
    %add3A_43 = arith.addf %dot_general3A_38, %add3A_42 : vector<1000x64xf32>
    %mul3A_44 = arith.constant 5.000000e-01 : f32
    %mul3A_45 = vector.broadcast %mul3A_44 : f32 to vector<1000x64xf32>
    %mul3A_46 = arith.mulf %add3A_43, %mul3A_45 : vector<1000x64xf32>
    %exp3A = math.exp %mul3A_46 : vector<1000x64xf32>
    %mul3A_47 = vector.broadcast %get3A_10 : f32 to vector<1000x64xf32>
    %mul3A_48 = arith.mulf %mul3A_47, %exp3A : vector<1000x64xf32>
    %add3A_49 = arith.addf %add3A_30, %mul3A_48 : vector<1000x64xf32>
    %swap3A = arith.constant 0 : index
    %swap3A_50 = arith.constant 0 : index
    %swap3A_51 = arith.constant 0 : index
    %swap3A_52 = vector.load %arg9[%swap3A, %swap3A_50, %swap3A_51] : memref<1x1000x64xf32, #tpu.memory_space<vmem>>, vector<1x1000x64xf32>
    %swap3A_53 = vector.shape_cast %swap3A_52 : vector<1x1000x64xf32> to vector<1000x64xf32>
    %swap3A_54 = vector.shape_cast %add3A_49 : vector<1000x64xf32> to vector<1x1000x64xf32>
    tpu.vector_store %arg9[%swap3A, %swap3A_50, %swap3A_51], %swap3A_54 {strides = array<i32>} : memref<1x1000x64xf32, #tpu.memory_space<vmem>>, vector<1x1000x64xf32>,
    return
  }
  func.func @transform_0(%arg0: i32, %arg1: i32) -> (i32, i32) {
    %c0_i32 = arith.constant 0 : i32
    %c0_i32_0 = arith.constant 0 : i32
    %c0_i32_1 = arith.constant 0 : i32
    return %c0_i32, %c0_i32_0 : i32, i32
  }
  func.func @transform_1(%arg0: i32, %arg1: i32) -> (i32, i32, i32) {
    %c0_i32 = arith.constant 0 : i32
    %c0_i32_0 = arith.constant 0 : i32
    return %arg0, %arg1, %c0_i32 : i32, i32, i32
  }
  func.func @transform_2(%arg0: i32, %arg1: i32) -> (i32, i32, i32) {
    %c0_i32 = arith.constant 0 : i32
    %c0_i32_0 = arith.constant 0 : i32
    return %arg0, %arg1, %c0_i32 : i32, i32, i32
  }
  func.func @transform_3(%arg0: i32, %arg1: i32) -> (i32, i32) {
    %c0_i32 = arith.constant 0 : i32
    %c0_i32_0 = arith.constant 0 : i32
    %c0_i32_1 = arith.constant 0 : i32
    return %c0_i32, %c0_i32_0 : i32, i32
  }
  func.func @transform_4(%arg0: i32, %arg1: i32) -> (i32, i32) {
    %c0_i32 = arith.constant 0 : i32
    %c0_i32_0 = arith.constant 0 : i32
    %c0_i32_1 = arith.constant 0 : i32
    return %c0_i32, %c0_i32_0 : i32, i32
  }
  func.func @transform_5(%arg0: i32, %arg1: i32) -> (i32, i32) {
    %c0_i32 = arith.constant 0 : i32
    %c0_i32_0 = arith.constant 0 : i32
    %c0_i32_1 = arith.constant 0 : i32
    return %c0_i32, %c0_i32_0 : i32, i32
  }
  func.func @transform_6(%arg0: i32, %arg1: i32) -> (i32, i32) {
    %c0_i32 = arith.constant 0 : i32
    %c0_i32_0 = arith.constant 0 : i32
    %c0_i32_1 = arith.constant 0 : i32
    return %c0_i32, %c0_i32_0 : i32, i32
  }
  func.func @transform_7(%arg0: i32, %arg1: i32) -> (i32, i32, i32) {
    %c0_i32 = arith.constant 0 : i32
    %c0_i32_0 = arith.constant 0 : i32
    return %arg0, %arg1, %c0_i32 : i32, i32, i32
  }
}

module attributes {stable_mosaic.version = 14 : i64} {
  func.func @_decoder_body(%arg0: i32, %arg1: i32, %arg2: i32, %arg3: memref<1x1000x64xf32, #tpu.memory_space<vmem>>, %arg4: memref<1x1024x64xf32, #tpu.memory_space<vmem>>, %arg5: memref<1x1000x1024xf32, #tpu.memory_space<vmem>>) attributes {dimension_semantics = [#tpu.dimension_semantics<arbitrary>, #tpu.dimension_semantics<arbitrary>, #tpu.dimension_semantics<arbitrary>], iteration_bounds = array<i64: 2, 10, 10>, scalar_prefetch = 0 : i64, scratch_operands = 0 : i64, tpu.core_type = #tpu.core_type<tc>, window_params = [{transform_indices = @transform_0, window_bounds = array<i64: 1, 1000, 64>}, {transform_indices = @transform_1, window_bounds = array<i64: 1, 1024, 64>}, {transform_indices = @transform_2, window_bounds = array<i64: 1, 1000, 1024>}]} {
    %get3A = arith.constant 0 : index
    %get3A_0 = arith.constant 0 : index
    %get3A_1 = arith.constant 0 : index
    %get3A_2 = vector.load %arg3[%get3A, %get3A_0, %get3A_1] : memref<1x1000x64xf32, #tpu.memory_space<vmem>>, vector<1x1000x64xf32>
    %get3A_3 = vector.shape_cast %get3A_2 : vector<1x1000x64xf32> to vector<1000x64xf32>
    %get3A_4 = arith.constant 0 : index
    %get3A_5 = arith.constant 0 : index
    %get3A_6 = arith.constant 0 : index
    %get3A_7 = vector.load %arg4[%get3A_4, %get3A_5, %get3A_6] : memref<1x1024x64xf32, #tpu.memory_space<vmem>>, vector<1x1024x64xf32>
    %get3A_8 = vector.shape_cast %get3A_7 : vector<1x1024x64xf32> to vector<1024x64xf32>
    %dot_general3A = arith.constant dense<0.000000e+00> : vector<1000x1024xf32>
    %dot_general3A_9 = tpu.matmul %get3A_3, %get3A_8, %dot_general3A {dimension_numbers = #tpu.dot_dimension_numbers<[1], [1], [0], [0], [0, 0, 1, 0], [], []>, transpose_lhs_hint = false} : vector<1000x64xf32>, vector<1024x64xf32>, vector<1000x1024xf32> -> vector<1000x1024xf32>
    %logistic3A = arith.negf %dot_general3A_9 : vector<1000x1024xf32>
    %logistic3A_10 = math.exp %logistic3A : vector<1000x1024xf32>
    %logistic3A_11 = arith.constant 1.000000e+00 : f32
    %logistic3A_12 = vector.broadcast %logistic3A_11 : f32 to vector<1000x1024xf32>
    %logistic3A_13 = arith.addf %logistic3A_12, %logistic3A_10 : vector<1000x1024xf32>
    %logistic3A_14 = arith.divf %logistic3A_12, %logistic3A_13 : vector<1000x1024xf32>
    %swap3A = arith.constant 0 : index
    %swap3A_15 = arith.constant 0 : index
    %swap3A_16 = arith.constant 0 : index
    %swap3A_17 = vector.load %arg5[%swap3A, %swap3A_15, %swap3A_16] : memref<1x1000x1024xf32, #tpu.memory_space<vmem>>, vector<1x1000x1024xf32>
    %swap3A_18 = vector.shape_cast %swap3A_17 : vector<1x1000x1024xf32> to vector<1000x1024xf32>
    %swap3A_19 = vector.shape_cast %logistic3A_14 : vector<1000x1024xf32> to vector<1x1000x1024xf32>
    tpu.vector_store %arg5[%swap3A, %swap3A_15, %swap3A_16], %swap3A_19 {strides = array<i32>} : memref<1x1000x1024xf32, #tpu.memory_space<vmem>>, vector<1x1000x1024xf32>,
    return
  }
  func.func @transform_0(%arg0: i32, %arg1: i32, %arg2: i32) -> (i32, i32, i32) {
    %c0_i32 = arith.constant 0 : i32
    %c0_i32_0 = arith.constant 0 : i32
    return %arg0, %arg1, %c0_i32 : i32, i32, i32
  }
  func.func @transform_1(%arg0: i32, %arg1: i32, %arg2: i32) -> (i32, i32, i32) {
    %c0_i32 = arith.constant 0 : i32
    %c0_i32_0 = arith.constant 0 : i32
    return %arg0, %arg2, %c0_i32 : i32, i32, i32
  }
  func.func @transform_2(%arg0: i32, %arg1: i32, %arg2: i32) -> (i32, i32, i32) {
    %c0_i32 = arith.constant 0 : i32
    return %arg0, %arg1, %arg2 : i32, i32, i32
  }
}

</mosaic_0001>

<sc_bundles>
// kernel: kernel.10.cloned.1.call-start
scs
__scs_entry_jumppad:
0x0: {  	(pc) =	sbr.rel $0x88, $3  }
0x1: {  	(tag) =	ssettag $0x0;
	lr =	simm.s32 $0x1  }
0x2: {  	[smem:$0x3F94] =	sst lr;
	_ =	strace $0xD0000000  }
0x3: {  	_ = 	snop  }
0x4: {  	_ = 	snop  }
0x5: {  	_ = 	snop  }
0x6: {  	_ = 	snop  }
0x7: {  	_ = 	snop  }
__scs_overlays_trampoline_lowered:
0x8: {  	[smem:$0x3FA3] =	sst s0  }
0x9: {  	[smem:$0x3FA4] =	sst s1  }
0xa: {  	[smem:$0x3FA5] =	sst s2  }
0xb: {  	[smem:$0x3FA6] =	sst s3  }
0xc: {  	[smem:$0x3FA7] =	sst s4  }
0xd: {  	[smem:$0x3FA8] =	sst s5  }
0xe: {  	[smem:$0x3FA9] =	sst s6  }
0xf: {  	[smem:$0x3FAA] =	sst s7  }
0x10: {  	[smem:$0x3FAB] =	sst s8  }
0x11: {  	[smem:$0x3FAC] =	sst s9;
	s0 =	simm.s32 @!p0 $0x0  }
0x12: {  	s1 =	sld [smem:$0x3F92];
	s0 =	simm.s32 @p0 $0x1  }
0x13: {  	[smem:$0x3FAD] =	sst s0;
	s0 =	simm.s32 @!p1 $0x0  }
0x14: {  	s2 =	sld [smem:$0x3F91];
	s0 =	simm.s32 @p1 $0x1  }
0x15: {  	[smem:$0x3FAE] =	sst s0;
	s0 =	simm.s32 @!p2 $0x0  }
0x16: {  	s3 =	sld [smem:$0x3FDB];
	s0 =	simm.s32 @p2 $0x1  }
0x17: {  	s4 =	simm.s32 $0x1BF5;
	[smem:$0x3FB0] =	sst s0  }
0x18: {  	s0 =	sld [smem:$0x3F93];
	_ =	swait.ge [sflag:s4], $0x0  }
0x19: {  	s7 =	sld [smem:$0x3F94]  }
0x1a: {  	s8 =	sadd.s32 $0xFFFFE003, lr  }
0x1b: {  	s9 =	sadd.s32 $0xFFFFFEF7, lr;
	s5 =	simm.s32 $0xFFFFFFFF;
	p2 =	slt.u32 s8, $0xFFFFF086  }
0x1c: {  	p1 =	slt.u32 s9, $0xF7A;
	s5 =	simm.s32 @!p2 $0x0  }
0x1d: {  	s5 =	simm.s32 @p1 $0x1;
	p0 =	seq.s32 s7, s2  }
0x1e: {  	s7 =	smul.u32 @!p0 $0xF7A, s2;
	p2 =	seq.s32 @!p0 s5, $0x0  }
0x1f: {  	s9 =	smul.u32 $0xF7A, s1;
	s8 =	simm.s32 @!p0 $0x1BF5;
	p2 =	por !p2, p0  }
0x20: {  	[sflag:s8] =	ssyncset.s32 @!p0 $0xFFFFF086;
	s6 =	sadd.s32 @!p0 s3, s7;
	s7 =	simm.s32 @!p0 $0x108  }
0x21: {  	s3 =	sadd.s32 s3, s9;
	s6 =	sadd.s32 @!p0 $0x88, s6;
	s7 =	simm.s32 @p2 $0x1082  }
0x22: {  	[simem:s7], [sflag:s8] =	dma.local @!p0 [hbm:s6], $0xF7A  }
0x23: {  	s9 =	sor.u32 $0xD0000000, s2;
	s6 =	simm.s32 $0x108;
	_ =	swait.ge @!p0 [sflag:s8], $0x0  }
0x24: {  	s3 =	sadd.s32 $0x88, s3;
	s6 =	simm.s32 @!p1 $0x1082;
	[sflag:s4] =	ssyncset.s32 $0xFFFFF086  }
0x25: {  	[simem:s6], [sflag:s4] =	dma.local [hbm:s3], $0xF7A  }
0x26: {  	[smem:$0x3F94] =	sst s1;
	(tag) =	ssettag s2;
	_ =	strace s9  }
0x27: {  	s1 =	sld [smem:$0x3FA4]  }
0x28: {  	s2 =	sld [smem:$0x3FA5]  }
0x29: {  	s4 =	sld [smem:$0x3FA7]  }
0x2a: {  	p0 =	seq.s32 s5, $0x0;
	s5 =	sld [smem:$0x3FA8]  }
0x2b: {  	s6 =	sld [smem:$0x3FA9]  }
0x2c: {  	s7 =	sld [smem:$0x3FAA]  }
0x2d: {  	s3 =	simm.s32 $0x108;
	s8 =	sld [smem:$0x3FAB]  }
0x2e: {  	s3 =	simm.s32 @!p0 $0x1082;
	s9 =	sld [smem:$0x3FAC]  }
0x2f: {  	lr =	sadd.s32 s0, s3;
	s0 =	sld [smem:$0x3FA3]  }
0x30: {  	s3 =	sld [smem:$0x3FA6]  }
0x31: {  	[smem:$0x3FAF] =	sst s10  }
0x32: {  	s10 =	sld [smem:$0x3FAD];
	_ =	sdelay $0x3  }
0x33: {  	p0 =	seq.s32 s10, $0x1;
	s10 =	sld [smem:$0x3FAF];
	_ =	sdelay $0x3  }
0x34: {  	[smem:$0x3FAF] =	sst s10  }
0x35: {  	s10 =	sld [smem:$0x3FAE];
	_ =	sdelay $0x3  }
0x36: {  	p1 =	seq.s32 s10, $0x1;
	s10 =	sld [smem:$0x3FAF];
	_ =	sdelay $0x3  }
0x37: {  	[smem:$0x3FAF] =	sst s10  }
0x38: {  	s10 =	sld [smem:$0x3FB0]  }
0x39: {  	_ = 	snop;
	(pc) =	sbr.ind lr, $3  }
0x3a: {  	_ = 	snop  }
0x3b: {  	_ = 	snop  }
0x3c: {  	p2 =	seq.s32 s10, $0x1;
	s10 =	sld [smem:$0x3FAF]  }
0x3d: {  	_ =	shalt  }
0x3e: {  	_ =	shalt  }
0x3f: {  	_ =	shalt  }
0x40: {  	_ =	shalt  }
0x41: {  	_ =	shalt  }
0x42: {  	_ =	shalt  }
0x43: {  	_ =	shalt  }
0x44: {  	_ =	shalt  }
0x45: {  	_ =	shalt  }
0x46: {  	_ =	shalt  }
0x47: {  	_ =	shalt  }
0x48: {  	_ =	shalt  }
0x49: {  	_ =	shalt  }
0x4a: {  	_ =	shalt  }
0x4b: {  	_ =	shalt  }
0x4c: {  	_ =	shalt  }
0x4d: {  	_ =	shalt  }
0x4e: {  	_ =	shalt  }
0x4f: {  	_ =	shalt  }
0x50: {  	_ =	shalt  }
0x51: {  	_ =	shalt  }
0x52: {  	_ =	shalt  }
0x53: {  	_ =	shalt  }
0x54: {  	_ =	shalt  }
0x55: {  	_ =	shalt  }
0x56: {  	_ =	shalt  }
0x57: {  	_ =	shalt  }
0x58: {  	_ =	shalt  }
0x59: {  	_ =	shalt  }
0x5a: {  	_ =	shalt  }
0x5b: {  	_ =	shalt  }
0x5c: {  	_ =	shalt  }
0x5d: {  	_ =	shalt  }
0x5e: {  	_ =	shalt  }
0x5f: {  	_ =	shalt  }
0x60: {  	_ =	shalt  }
0x61: {  	_ =	shalt  }
0x62: {  	_ =	shalt  }
0x63: {  	_ =	shalt  }
0x64: {  	_ =	shalt  }
0x65: {  	_ =	shalt  }
0x66: {  	_ =	shalt  }
0x67: {  	_ =	shalt  }
0x68: {  	_ =	shalt  }
0x69: {  	_ =	shalt  }
0x6a: {  	_ =	shalt  }
0x6b: {  	_ =	shalt  }
0x6c: {  	_ =	shalt  }
0x6d: {  	_ =	shalt  }
0x6e: {  	_ =	shalt  }
0x6f: {  	_ =	shalt  }
0x70: {  	_ =	shalt  }
0x71: {  	_ =	shalt  }
0x72: {  	_ =	shalt  }
0x73: {  	_ =	shalt  }
0x74: {  	_ =	shalt  }
0x75: {  	_ =	shalt  }
0x76: {  	_ =	shalt  }
0x77: {  	_ =	shalt  }
0x78: {  	_ =	shalt  }
0x79: {  	_ =	shalt  }
0x7a: {  	_ =	shalt  }
0x7b: {  	_ =	shalt  }
0x7c: {  	_ =	shalt  }
0x7d: {  	_ =	shalt  }
0x7e: {  	_ =	shalt  }
0x7f: {  	_ =	shalt  }
0x80: {  	_ =	shalt  }
0x81: {  	_ =	shalt  }
0x82: {  	_ =	shalt  }
0x83: {  	_ =	shalt  }
0x84: {  	_ =	shalt  }
0x85: {  	_ =	shalt  }
0x86: {  	_ =	shalt  }
0x87: {  	_ =	shalt  }
.Lfunc_end0:
.L_simem_size_0:
called_computation.1_lowered:
.L_overlay_start_0:
0x88: {  	s2 =	sld [smem:$0x3FD9]  }
0x89: {  	s3 =	sld [smem:$0x3FFE];
	_ =	sdelay $0x1  }
0x8a: {  	s1 =	srdreg.scid  }
0x8b: {  	s0 =	sand.u32 $0x1, s1  }
0x8c: {  	s14 =	sshll.u32 s0, $0xA;
	s2 =	sadd.s32 s3, s2  }
0x8d: {  	s2 =	sadd.s32 s2, s14  }
0x8e: {  	[smem:$0x3FBB] =	sst s2  }
0x8f: {  	_ = 	snop  }
0x90: {  	s2 =	sld [smem:$0x3FD0];
	_ =	sdelay $0x2  }
0x91: {  	s15 =	simm.s32 $0xA;
	s4 =	simm.s32 $0x10  }
0x92: {  	[smem:s4], [sflag:s15] =	dma.local [hbm:s2], $0x1  }
0x93: {  	_ =	swait.eq [sflag:s15], $0x1  }
0x94: {  	[sflag:s15] =	ssyncset.done $0x0  }
0x95: {  	[sflag:s15] =	ssyncadd.s32 $0xFFFFFFFF  }
0x96: {  	s16 =	sld [smem:$0x11];
	(tm) =	ssettm $0x1  }
0x97: {  	s17 =	sld [smem:$0x3FFB];
	_ =	sdelay $0x3  }
0x98: {  	_ =	strace s17  }
0x99: {  	s3 =	sld [smem:$0x3FFC];
	_ =	sdelay $0x3  }
0x9a: {  	_ =	strace s3  }
0x9b: {  	s3 =	sld [smem:$0x3FFD];
	_ =	sdelay $0x3  }
0x9c: {  	_ =	strace s3  }
0x9d: {  	_ =	strace $0x8FFFFFFF  }
0x9e: {  	s18 =	sld [smem:$0x3FDB];
	_ =	sdelay $0x1  }
0x9f: {  	s19 =	simm.s32 $_scs_section_size  }
0xa0: {  	s5 =	simm.s32 $_size__tile_overlayer_lowered;
	s6 =	simm.s32 $_tile_overlayer_lowered  }
0xa1: {  	s22 =	simm.s32 $0x1BFF;
	s21 =	sshll.u32 s6, $0x1;
	s3 =	sadd.s32 s19, s18  }
0xa2: {  	s7 =	simm.s32 $0x0;
	s20 =	sshll.u32 s5, $0x1;
	s5 =	sadd.s32 s21, s3  }
0xa3: {  	[timem:s7], [sflag:s22] =	dma.local [hbm:s5], s20  }
0xa4: {  	_ =	swait.ge [sflag:s22], s20  }
0xa5: {  	s4 =	ssub.s32 $0x0, s20;
	[sflag:s22] =	ssyncset.done $0x0  }
0xa6: {  	[sflag:s22] =	ssyncadd.s32 s4;
	_ =	sdelay $0x1  }
0xa7: {  	s23 =	simm.s32 $0x1B8B  }
0xa8: {  	_ =	swait.ge [sflag:s23], $0x1  }
0xa9: {  	[sflag:s23] =	ssyncset.done $0x0  }
0xaa: {  	s25 =	simm.s32 $0x1B8E;
	s24 =	sld [smem:$0x3FFE];
	[sflag:s23] =	ssyncadd.s32 $0xFFFFFFFF  }
0xab: {  	s26 =	simm.s32 $execute0_lowered;
	[smem:$0x3FD2] =	sst s25  }
0xac: {  	s5 =	sshll.u32 s26, $0x1;
	_ =	strace $0x80000049;
	[dreg:$0x1] =	wrdreg $0xFFFFFFFF  }
0xad: {  	s28 =	simm.s32 $_size_execute0_lowered;
	s3 =	sadd.s32 s3, s5;
	[dreg:$0x0] =	wrdreg $0x0  }
0xae: {  	s5 =	sshll.u32 s28, $0x1;
	[dreg:$0x2] =	wrdreg s3  }
0xaf: {  	[dreg:$0x3] =	wrdreg s5  }
0xb0: {  	[dreg:$0x4] =	wrdreg $0xC0  }
0xb1: {  	_ =	task [dreg:s7], $0x5FFFF  }
0xb2: {  	[dreg:$0x1] =	wrdreg $0xFFFFFFFF  }
0xb3: {  	[dreg:$0x0] =	wrdreg $0x60  }
0xb4: {  	[dreg:$0x2] =	wrdreg s24  }
0xb5: {  	[dreg:$0x3] =	wrdreg s16  }
0xb6: {  	[dreg:$0x4] =	wrdreg $0x41000  }
0xb7: {  	[dreg:$0x5] =	wrdreg $0x9  }
0xb8: {  	_ =	task.clear_ibuf [dreg:s7], $0x6FFFF;
	_ =	strace $0x90000049  }
0xb9: {  	s29 =	simm.s32 $0x9;
	_ =	strace $0x8000004B  }
0xba: {  	_ =	swait.ge [sflag:s29], $0x1  }
0xbb: {  	[sflag:s29] =	ssyncadd.s32 $0xFFFFFFFF  }
0xbc: {  	_ =	strace $0x9000004B  }
0xbd: {  	_ =	sfence  }
0xbe: {  	s30 =	sld [smem:$0x0];
	_ =	sdelay $0x2  }
0xbf: {  	s31 =	sshll.u32 s1, $0xD;
	s1 =	sshrl.u32 s1, $0x2  }
0xc0: {  	s3 =	sand.u32 $0x4000, s31;
	s1 =	sadd.s32 s1, s30  }
0xc1: {  	s0 =	sor.u32 s3, s0;
	s1 =	sshll.u32 s1, $0x11  }
0xc2: {  	s0 =	sor.u32 s1, s0  }
0xc3: {  	s0 =	sadd.s32 $0x8F2B, s0  }
0xc4: {  	[sflag:s0] =	ssyncadd.remote.s32 $0x1  }
0xc5: {  	_ =	sfence.sel $0xFFFF  }
0xc6: {  	[dreg:$0x0] =	wrdreg $0xFFFFFFFF;
	(pc) =	sbr.abs _section_cstart, $3  }
0xc7: {  	[dreg:$0x1] =	wrdreg $0xFFFFFFFF  }
0xc8: {  	_ =	task.clear_ibuf [dreg:s7], $0x2FFFF;
	_ =	strace $0x9FFFFFFF  }
0xc9: {  	(tm) =	ssettm $0x7FFFFFFF  }
tec
execute0_lowered:
.L_overlay_start_1:
0x0: {  	(tag) =	ssettag $0x1  }
0x1: {  	s5 =	rddreg [dreg:$0x0]  }
0x2: {  	s8 =	rddreg [dreg:$0x1]  }
0x3: {  	s1 =	rddreg [dreg:$0x2]  }
0x4: {  	s0 =	rddreg [dreg:$0x3];
	s3 =	simm.s32 $0x0  }
0x5: {  	s2 =	stileid.u32;
	s7 =	srdreg.scid;
	s16 =	simm.s32 $0x1  }
0x6: {  	s17 =	simm.s32 $0x0;
	[smem:$0x7FF] =	sst s3;
	s4 =	sadd.s32 $0x16600, s5  }
0x7: {  	s6 =	sshll.u32 s2, $0x4;
	s7 =	sand.u32 $0x1, s7;
	s29 =	smul.u32 $0x50000, s2  }
0x8: {  	s10 =	smul.u32 $0x2800, s2;
	s31 =	sshll.u32 s2, $0x6;
	s14 =	ssub.s32 $0x9D3, s2  }
0x9: {  	_ =	strace $0x8000004A;
	s11 =	sadd.s32 s6, s5;
	s13 =	smul.u32 $0x28000, s7  }
0xa: {  	s5 =	sadd.s32 $0x64800, s5;
	s9 =	ssub.s32 $0x2, s7;
	s15 =	smul.u32 $0x2710, s7  }
0xb: {  	s7 =	sshrl.u32 s14, $0x4;
	s12 =	sshrl.u32 s9, $0x1;
	s6 =	sshrl.u32 s29, $0x2  }
0xc: {  	s14 =	simm.s32 $0x80;
	s9 =	ssub.s32 s9, s12;
	s30 =	sadd.s32 s6, s1  }
0xd: {  	s6 =	sor.u32 $0x1C02, s31;
	s10 =	sadd.s32 s10, s13;
	s13 =	simm.s32 $0x2  }
0xe: {  	v0 =	vmov s15;
	s15 =	simm.s32 $0x100;
	s8 =	sadd.s32 s8, s10;
	s9 =	smax.u32 s9, $0x1  }
0xf: {  	s10 =	sadd.s32 $0x2A00, s11;
	s11 =	sadd.s32 $0xC800, s11;
	s12 =	sshrl.u32 s30, $0x3  }
.LBB2_1:
0x10: {  	[spmem:s12], [sflag:s6] =	dma.local [hbm:s5], $0x2800  }
0x11: {  	_ =	swait.ge [sflag:s13], $0x2800  }
0x12: {  	[sflag:s13] =	ssyncset.done $0x0  }
0x13: {  	[sflag:s13] =	ssyncadd.s32 $0xFFFFD800  }
0x14: {  	[bflag:$0x0] =	sbarrier.arrive $0xFFFF  }
0x15: {  	[tilespmem:s3], [sflag:$0x2] =	stream.linear.gather [hbm4b:s11+s3], $0x80, $0x38;
	[tilespmem:$0x18100] =	vst v63  }
0x16: {  	_ =	swait.ge [sflag:s13], $0x80  }
0x17: {  	[sflag:s13] =	ssyncset.done $0x0  }
0x18: {  	[sflag:s13] =	ssyncadd.s32 $0xFFFFFF80  }
0x19: {  	[tilespmem:s14], [sflag:$0x2] =	stream.linear.gather [hbm4b:s10+s3], $0x80, $0x38;
	[tilespmem:$0x18100] =	vst v63  }
0x1a: {  	_ =	swait.ge [sflag:s13], $0x80  }
0x1b: {  	[sflag:s13] =	ssyncset.done $0x0  }
0x1c: {  	[sflag:s13] =	ssyncadd.s32 $0xFFFFFF80  }
0x1d: {  	v1 =	vld [tilespmem:$0x70]  }
0x1e: {  	v2 =	vld [tilespmem:$0x60]  }
0x1f: {  	v3 =	vld [tilespmem:$0x50]  }
0x20: {  	v4 =	vld [tilespmem:$0x30]  }
0x21: {  	v5 =	vld [tilespmem:$0x20]  }
0x22: {  	v6 =	vld [tilespmem:$0x10];
	v1 =	vadd.s32 v0, v1  }
0x23: {  	v7 =	vld [tilespmem:$0x40];
	v2 =	vadd.s32 v0, v2;
	[tilespmem:$0x70] =	vst v1  }
0x24: {  	v3 =	vadd.s32 v0, v3;
	v1 =	vld [tilespmem:$0x0];
	[tilespmem:$0x60] =	vst v2  }
0x25: {  	p0 =	sne.s32 s7, $0x1;
	v2 =	vadd.s32 v0, v4;
	[tilespmem:$0x50] =	vst v3  }
.Ltmp0:
0x26: {  	v3 =	vadd.s32 v0, v5;
	[tilespmem:$0x30] =	vst v2;
	(pc) =	sbr.rel @!p0 .LBB2_3-.Ltmp0, $4  }
0x27: {  	v2 =	vadd.s32 v0, v6;
	[tilespmem:$0x20] =	vst v3  }
0x28: {  	[tilespmem:$0x10] =	vst v2;
	v2 =	vadd.s32 v0, v7  }
0x29: {  	[tilespmem:$0x40] =	vst v2;
	v1 =	vadd.s32 v0, v1  }
0x2a: {  	s18 =	sadd.s32 $0xFFFFFFFF, s7;
	s19 =	sadd.s32 $0x100, s10;
	s20 =	sadd.s32 $0x100, s11;
	[tilespmem:$0x0] =	vst v1  }
.LBB2_2:
0x2b: {  	[tilespmem:s15], [sflag:$0x1] =	stream.indirect.gather [hbm4b:s4+s14], $0x80, s3, s14, $0xb8;
	[tilespmem:$0x18100] =	vst v63  }
0x2c: {  	p0 =	sne.s32 s18, $0x1;
	s18 =	sadd.s32 $0xFFFFFFFF, s18;
	_ =	swait.ge [sflag:s16], $0x4000  }
0x2d: {  	[sflag:s16] =	ssyncset.done $0x0  }
0x2e: {  	[sflag:s16] =	ssyncadd.s32 $0xFFFFC000  }
0x2f: {  	[spmem:s1] =	stream.indirect.scatter.add.f32 [tilespmem:s15], [sflag:$0x2], $0x80, s14, s14, $0xb8;
	[tilespmem:$0x18100] =	vst v63  }
0x30: {  	_ =	swait.ge [sflag:s13], $0x4000  }
0x31: {  	[sflag:s13] =	ssyncset.done $0x0  }
0x32: {  	[sflag:s13] =	ssyncadd.s32 $0xFFFFC000  }
0x33: {  	[tilespmem:s3], [sflag:$0x2] =	stream.linear.gather [hbm4b:s20+s3], $0x80, $0x38;
	[tilespmem:$0x18100] =	vst v63  }
0x34: {  	_ =	swait.ge [sflag:s13], $0x80  }
0x35: {  	[sflag:s13] =	ssyncset.done $0x0  }
0x36: {  	[sflag:s13] =	ssyncadd.s32 $0xFFFFFF80  }
0x37: {  	[tilespmem:s14], [sflag:$0x2] =	stream.linear.gather [hbm4b:s19+s3], $0x80, $0x38;
	[tilespmem:$0x18100] =	vst v63  }
0x38: {  	_ =	swait.ge [sflag:s13], $0x80  }
0x39: {  	[sflag:s13] =	ssyncset.done $0x0  }
0x3a: {  	[sflag:s13] =	ssyncadd.s32 $0xFFFFFF80  }
0x3b: {  	v1 =	vld [tilespmem:$0x70]  }
0x3c: {  	v2 =	vld [tilespmem:$0x60]  }
0x3d: {  	v3 =	vld [tilespmem:$0x50]  }
0x3e: {  	v4 =	vld [tilespmem:$0x30]  }
0x3f: {  	v5 =	vld [tilespmem:$0x20]  }
0x40: {  	v6 =	vld [tilespmem:$0x10];
	v1 =	vadd.s32 v0, v1  }
0x41: {  	v7 =	vld [tilespmem:$0x40];
	v2 =	vadd.s32 v0, v2;
	[tilespmem:$0x70] =	vst v1  }
0x42: {  	v1 =	vld [tilespmem:$0x0];
	v3 =	vadd.s32 v0, v3;
	[tilespmem:$0x60] =	vst v2  }
0x43: {  	v2 =	vadd.s32 v0, v4;
	[tilespmem:$0x50] =	vst v3  }
.Ltmp1:
0x44: {  	v3 =	vadd.s32 v0, v5;
	[tilespmem:$0x30] =	vst v2;
	(pc) =	sbr.rel @p0 .LBB2_2-.Ltmp1, $4  }
0x45: {  	v2 =	vadd.s32 v0, v6;
	[tilespmem:$0x20] =	vst v3  }
0x46: {  	[tilespmem:$0x10] =	vst v2;
	v2 =	vadd.s32 v0, v7  }
0x47: {  	v1 =	vadd.s32 v0, v1;
	[tilespmem:$0x40] =	vst v2  }
0x48: {  	s20 =	sadd.s32 $0x100, s20;
	s19 =	sadd.s32 $0x100, s19;
	[tilespmem:$0x0] =	vst v1  }
.LBB2_3:
0x49: {  	[tilespmem:s15], [sflag:$0x1] =	stream.indirect.gather [hbm4b:s4+s14], $0x80, s3, s14, $0xb8;
	[tilespmem:$0x18100] =	vst v63  }
0x4a: {  	_ =	swait.ge [sflag:s16], $0x4000  }
0x4b: {  	[sflag:s16] =	ssyncset.done $0x0  }
0x4c: {  	[sflag:s16] =	ssyncadd.s32 $0xFFFFC000  }
0x4d: {  	[spmem:s1] =	stream.indirect.scatter.add.f32 [tilespmem:s15], [sflag:$0x2], $0x80, s14, s14, $0xb8;
	[tilespmem:$0x18100] =	vst v63  }
0x4e: {  	_ =	swait.ge [sflag:s13], $0x4000  }
0x4f: {  	s17 =	sadd.s32 $0x1, s17;
	[sflag:s13] =	ssyncset.done $0x0  }
0x50: {  	p0 =	sne.s32 s17, s9;
	[sflag:s13] =	ssyncadd.s32 $0xFFFFC000  }
.Ltmp2:
0x51: {  	[bflag:$0x0] =	sbarrier.arrive $0xFFFF;
	(pc) =	sbr.rel @p0 .LBB2_1-.Ltmp2, $4  }
0x52: {  	[hbm:s8], [sflag:s6] =	dma.local [spmem:s12], $0x2800  }
0x53: {  	_ =	swait.ge [sflag:s13], $0x2800  }
0x54: {  	[sflag:s13] =	ssyncset.done $0x0  }
0x55: {  	[sflag:s13] =	ssyncadd.s32 $0xFFFFD800  }
0x56: {  	_ =	sfence.sel $0x180000  }
0x57: {  	[bflag:$0x0] =	sbarrier.arrive $0xFFFF  }
0x58: {  	p0 =	sne.s32 s2, $0x0;
	_ =	strace $0x9000004A  }
0x59: {  	s0 =	sadd.s32 @!p0 $0x100000, s0;
	[bflag:$0x2] =	sbarrier.arrive $0xFFFF  }
0x5a: {  	[sflag:s0] =	ssyncadd.tile.s32 @!p0 $0x1;
	_ =	shalt  }
.Lfunc_end2:
_tile_overlayer_lowered:
.L_overlay_start_2:
0x5b: {  	(tag) =	ssettag $0x2  }
0x5c: {  	s0 =	rddreg [dreg:$0x0];
	s2 =	stileid.u32  }
0x5d: {  	s1 =	rddreg [dreg:$0x1];
	p0 =	sne.s32 s2, $0x0  }
0x5e: {  	s3 =	rddreg [dreg:$0x2];
	[bflag:$0x3] =	sbarrier.arrive $0xFFFF;
	s2 =	simm.s32 @!p0 $0x1C02  }
0x5f: {  	[timem:s3], [sflag:s2] =	dma.local @!p0 [hbm:s0], s1  }
0x60: {  	s0 =	simm.s32 @!p0 $0x2  }
0x61: {  	_ =	swait.ge @!p0 [sflag:s0], s1  }
0x62: {  	s1 =	ssub.s32 @!p0 $0x0, s1;
	[sflag:s0] =	ssyncset.done @!p0 $0x0  }
0x63: {  	[sflag:s0] =	ssyncadd.s32 @!p0 s1  }
0x64: {  	[bflag:$0x3] =	sbarrier.arrive $0xFFFF  }
0x65: {  	_ =	shalt  }

// kernel: kernel.7.cloned.1.call-start
scs
__scs_entry_jumppad:
0x0: {  	(pc) =	sbr.rel $0x88, $3  }
0x1: {  	(tag) =	ssettag $0x0;
	lr =	simm.s32 $0x1  }
0x2: {  	[smem:$0x3F94] =	sst lr;
	_ =	strace $0xD0000000  }
0x3: {  	_ = 	snop  }
0x4: {  	_ = 	snop  }
0x5: {  	_ = 	snop  }
0x6: {  	_ = 	snop  }
0x7: {  	_ = 	snop  }
__scs_overlays_trampoline_lowered:
0x8: {  	[smem:$0x3FA3] =	sst s0  }
0x9: {  	[smem:$0x3FA4] =	sst s1  }
0xa: {  	[smem:$0x3FA5] =	sst s2  }
0xb: {  	[smem:$0x3FA6] =	sst s3  }
0xc: {  	[smem:$0x3FA7] =	sst s4  }
0xd: {  	[smem:$0x3FA8] =	sst s5  }
0xe: {  	[smem:$0x3FA9] =	sst s6  }
0xf: {  	[smem:$0x3FAA] =	sst s7  }
0x10: {  	[smem:$0x3FAB] =	sst s8  }
0x11: {  	[smem:$0x3FAC] =	sst s9;
	s0 =	simm.s32 @!p0 $0x0  }
0x12: {  	s1 =	sld [smem:$0x3F92];
	s0 =	simm.s32 @p0 $0x1  }
0x13: {  	[smem:$0x3FAD] =	sst s0;
	s0 =	simm.s32 @!p1 $0x0  }
0x14: {  	s2 =	sld [smem:$0x3F91];
	s0 =	simm.s32 @p1 $0x1  }
0x15: {  	[smem:$0x3FAE] =	sst s0;
	s0 =	simm.s32 @!p2 $0x0  }
0x16: {  	s3 =	sld [smem:$0x3FDB];
	s0 =	simm.s32 @p2 $0x1  }
0x17: {  	s4 =	simm.s32 $0x1BF5;
	[smem:$0x3FB0] =	sst s0  }
0x18: {  	s0 =	sld [smem:$0x3F93];
	_ =	swait.ge [sflag:s4], $0x0  }
0x19: {  	s7 =	sld [smem:$0x3F94]  }
0x1a: {  	s8 =	sadd.s32 $0xFFFFE003, lr  }
0x1b: {  	s9 =	sadd.s32 $0xFFFFFEF7, lr;
	s5 =	simm.s32 $0xFFFFFFFF;
	p2 =	slt.u32 s8, $0xFFFFF086  }
0x1c: {  	p1 =	slt.u32 s9, $0xF7A;
	s5 =	simm.s32 @!p2 $0x0  }
0x1d: {  	s5 =	simm.s32 @p1 $0x1;
	p0 =	seq.s32 s7, s2  }
0x1e: {  	s7 =	smul.u32 @!p0 $0xF7A, s2;
	p2 =	seq.s32 @!p0 s5, $0x0  }
0x1f: {  	s9 =	smul.u32 $0xF7A, s1;
	s8 =	simm.s32 @!p0 $0x1BF5;
	p2 =	por !p2, p0  }
0x20: {  	[sflag:s8] =	ssyncset.s32 @!p0 $0xFFFFF086;
	s6 =	sadd.s32 @!p0 s3, s7;
	s7 =	simm.s32 @!p0 $0x108  }
0x21: {  	s3 =	sadd.s32 s3, s9;
	s6 =	sadd.s32 @!p0 $0x88, s6;
	s7 =	simm.s32 @p2 $0x1082  }
0x22: {  	[simem:s7], [sflag:s8] =	dma.local @!p0 [hbm:s6], $0xF7A  }
0x23: {  	s9 =	sor.u32 $0xD0000000, s2;
	s6 =	simm.s32 $0x108;
	_ =	swait.ge @!p0 [sflag:s8], $0x0  }
0x24: {  	s3 =	sadd.s32 $0x88, s3;
	s6 =	simm.s32 @!p1 $0x1082;
	[sflag:s4] =	ssyncset.s32 $0xFFFFF086  }
0x25: {  	[simem:s6], [sflag:s4] =	dma.local [hbm:s3], $0xF7A  }
0x26: {  	[smem:$0x3F94] =	sst s1;
	(tag) =	ssettag s2;
	_ =	strace s9  }
0x27: {  	s1 =	sld [smem:$0x3FA4]  }
0x28: {  	s2 =	sld [smem:$0x3FA5]  }
0x29: {  	s4 =	sld [smem:$0x3FA7]  }
0x2a: {  	p0 =	seq.s32 s5, $0x0;
	s5 =	sld [smem:$0x3FA8]  }
0x2b: {  	s6 =	sld [smem:$0x3FA9]  }
0x2c: {  	s7 =	sld [smem:$0x3FAA]  }
0x2d: {  	s3 =	simm.s32 $0x108;
	s8 =	sld [smem:$0x3FAB]  }
0x2e: {  	s3 =	simm.s32 @!p0 $0x1082;
	s9 =	sld [smem:$0x3FAC]  }
0x2f: {  	lr =	sadd.s32 s0, s3;
	s0 =	sld [smem:$0x3FA3]  }
0x30: {  	s3 =	sld [smem:$0x3FA6]  }
0x31: {  	[smem:$0x3FAF] =	sst s10  }
0x32: {  	s10 =	sld [smem:$0x3FAD];
	_ =	sdelay $0x3  }
0x33: {  	p0 =	seq.s32 s10, $0x1;
	s10 =	sld [smem:$0x3FAF];
	_ =	sdelay $0x3  }
0x34: {  	[smem:$0x3FAF] =	sst s10  }
0x35: {  	s10 =	sld [smem:$0x3FAE];
	_ =	sdelay $0x3  }
0x36: {  	p1 =	seq.s32 s10, $0x1;
	s10 =	sld [smem:$0x3FAF];
	_ =	sdelay $0x3  }
0x37: {  	[smem:$0x3FAF] =	sst s10  }
0x38: {  	s10 =	sld [smem:$0x3FB0]  }
0x39: {  	_ = 	snop;
	(pc) =	sbr.ind lr, $3  }
0x3a: {  	_ = 	snop  }
0x3b: {  	_ = 	snop  }
0x3c: {  	p2 =	seq.s32 s10, $0x1;
	s10 =	sld [smem:$0x3FAF]  }
0x3d: {  	_ =	shalt  }
0x3e: {  	_ =	shalt  }
0x3f: {  	_ =	shalt  }
0x40: {  	_ =	shalt  }
0x41: {  	_ =	shalt  }
0x42: {  	_ =	shalt  }
0x43: {  	_ =	shalt  }
0x44: {  	_ =	shalt  }
0x45: {  	_ =	shalt  }
0x46: {  	_ =	shalt  }
0x47: {  	_ =	shalt  }
0x48: {  	_ =	shalt  }
0x49: {  	_ =	shalt  }
0x4a: {  	_ =	shalt  }
0x4b: {  	_ =	shalt  }
0x4c: {  	_ =	shalt  }
0x4d: {  	_ =	shalt  }
0x4e: {  	_ =	shalt  }
0x4f: {  	_ =	shalt  }
0x50: {  	_ =	shalt  }
0x51: {  	_ =	shalt  }
0x52: {  	_ =	shalt  }
0x53: {  	_ =	shalt  }
0x54: {  	_ =	shalt  }
0x55: {  	_ =	shalt  }
0x56: {  	_ =	shalt  }
0x57: {  	_ =	shalt  }
0x58: {  	_ =	shalt  }
0x59: {  	_ =	shalt  }
0x5a: {  	_ =	shalt  }
0x5b: {  	_ =	shalt  }
0x5c: {  	_ =	shalt  }
0x5d: {  	_ =	shalt  }
0x5e: {  	_ =	shalt  }
0x5f: {  	_ =	shalt  }
0x60: {  	_ =	shalt  }
0x61: {  	_ =	shalt  }
0x62: {  	_ =	shalt  }
0x63: {  	_ =	shalt  }
0x64: {  	_ =	shalt  }
0x65: {  	_ =	shalt  }
0x66: {  	_ =	shalt  }
0x67: {  	_ =	shalt  }
0x68: {  	_ =	shalt  }
0x69: {  	_ =	shalt  }
0x6a: {  	_ =	shalt  }
0x6b: {  	_ =	shalt  }
0x6c: {  	_ =	shalt  }
0x6d: {  	_ =	shalt  }
0x6e: {  	_ =	shalt  }
0x6f: {  	_ =	shalt  }
0x70: {  	_ =	shalt  }
0x71: {  	_ =	shalt  }
0x72: {  	_ =	shalt  }
0x73: {  	_ =	shalt  }
0x74: {  	_ =	shalt  }
0x75: {  	_ =	shalt  }
0x76: {  	_ =	shalt  }
0x77: {  	_ =	shalt  }
0x78: {  	_ =	shalt  }
0x79: {  	_ =	shalt  }
0x7a: {  	_ =	shalt  }
0x7b: {  	_ =	shalt  }
0x7c: {  	_ =	shalt  }
0x7d: {  	_ =	shalt  }
0x7e: {  	_ =	shalt  }
0x7f: {  	_ =	shalt  }
0x80: {  	_ =	shalt  }
0x81: {  	_ =	shalt  }
0x82: {  	_ =	shalt  }
0x83: {  	_ =	shalt  }
0x84: {  	_ =	shalt  }
0x85: {  	_ =	shalt  }
0x86: {  	_ =	shalt  }
0x87: {  	_ =	shalt  }
.Lfunc_end0:
.L_simem_size_0:
called_computation_lowered:
.L_overlay_start_0:
0x88: {  	s2 =	sld [smem:$0x3FD9]  }
0x89: {  	s3 =	sld [smem:$0x3FFE];
	_ =	sdelay $0x1  }
0x8a: {  	s1 =	srdreg.scid  }
0x8b: {  	s0 =	sand.u32 $0x1, s1  }
0x8c: {  	s14 =	sshll.u32 s0, $0xA;
	s2 =	sadd.s32 s3, s2  }
0x8d: {  	s2 =	sadd.s32 s2, s14  }
0x8e: {  	[smem:$0x3FBB] =	sst s2  }
0x8f: {  	_ = 	snop  }
0x90: {  	s2 =	sld [smem:$0x3FD0];
	_ =	sdelay $0x2  }
0x91: {  	s4 =	simm.s32 $0xA;
	s5 =	simm.s32 $0x10;
	s15 =	sld [smem:$0x3FC8]  }
0x92: {  	[smem:s5], [sflag:s4] =	dma.local [hbm:s2], $0x1  }
0x93: {  	_ =	swait.eq [sflag:s4], $0x1  }
0x94: {  	[sflag:s4] =	ssyncset.done $0x0  }
0x95: {  	s16 =	sld [smem:$0x10];
	[sflag:s4] =	ssyncadd.s32 $0xFFFFFFFF  }
0x96: {  	s17 =	sld [smem:$0x11];
	(tm) =	ssettm $0x1  }
0x97: {  	s18 =	sld [smem:$0x3FFB];
	_ =	sdelay $0x3  }
0x98: {  	_ =	strace s18  }
0x99: {  	s5 =	sld [smem:$0x3FFC];
	_ =	sdelay $0x3  }
0x9a: {  	_ =	strace s5  }
0x9b: {  	s5 =	sld [smem:$0x3FFD];
	_ =	sdelay $0x3  }
0x9c: {  	_ =	strace s5  }
0x9d: {  	_ =	strace $0x8FFFFFFF  }
0x9e: {  	s19 =	sld [smem:$0x3FDB];
	_ =	sdelay $0x1  }
0x9f: {  	s6 =	simm.s32 $_scs_section_size  }
0xa0: {  	s7 =	simm.s32 $_size__tile_overlayer_lowered;
	s8 =	simm.s32 $_tile_overlayer_lowered  }
0xa1: {  	s22 =	simm.s32 $0x1BFF;
	s21 =	sshll.u32 s8, $0x1;
	s5 =	sadd.s32 s6, s19  }
0xa2: {  	s9 =	simm.s32 $0x0;
	s20 =	sshll.u32 s7, $0x1;
	s7 =	sadd.s32 s21, s5  }
0xa3: {  	[timem:s9], [sflag:s22] =	dma.local [hbm:s7], s20  }
0xa4: {  	_ =	swait.ge [sflag:s22], s20  }
0xa5: {  	s6 =	ssub.s32 $0x0, s20;
	[sflag:s22] =	ssyncset.done $0x0  }
0xa6: {  	[sflag:s22] =	ssyncadd.s32 s6;
	_ =	sdelay $0x1  }
0xa7: {  	s23 =	simm.s32 $0x1B8B  }
0xa8: {  	_ =	swait.ge [sflag:s23], $0x1  }
0xa9: {  	[sflag:s23] =	ssyncset.done $0x0  }
0xaa: {  	s25 =	simm.s32 $0x1B8E;
	s24 =	sld [smem:$0x3FFE];
	[sflag:s23] =	ssyncadd.s32 $0xFFFFFFFF  }
0xab: {  	s26 =	simm.s32 $execute0_lowered;
	[smem:$0x3FD2] =	sst s25  }
0xac: {  	s7 =	sshll.u32 s26, $0x1;
	_ =	strace $0x80000046;
	[dreg:$0x1] =	wrdreg $0xFFFFFFFF  }
0xad: {  	s28 =	simm.s32 $_size_execute0_lowered;
	s5 =	sadd.s32 s5, s7;
	[dreg:$0x0] =	wrdreg $0x0  }
0xae: {  	s7 =	sshll.u32 s28, $0x1;
	[dreg:$0x2] =	wrdreg s5  }
0xaf: {  	[dreg:$0x3] =	wrdreg s7  }
0xb0: {  	[dreg:$0x4] =	wrdreg $0xC0  }
0xb1: {  	_ =	task [dreg:s9], $0x5FFFF  }
0xb2: {  	[dreg:$0x1] =	wrdreg $0xFFFFFFFF  }
0xb3: {  	[dreg:$0x0] =	wrdreg $0x60  }
0xb4: {  	[dreg:$0x2] =	wrdreg s15  }
0xb5: {  	[dreg:$0x3] =	wrdreg s16  }
0xb6: {  	[dreg:$0x4] =	wrdreg s24  }
0xb7: {  	[dreg:$0x5] =	wrdreg s17  }
0xb8: {  	[dreg:$0x6] =	wrdreg $0x41000  }
0xb9: {  	[dreg:$0x7] =	wrdreg $0x9  }
0xba: {  	_ =	task.clear_ibuf [dreg:s9], $0x8FFFF;
	_ =	strace $0x90000046  }
0xbb: {  	s29 =	simm.s32 $0x9;
	_ =	strace $0x80000048  }
0xbc: {  	_ =	swait.ge [sflag:s29], $0x1  }
0xbd: {  	[sflag:s29] =	ssyncadd.s32 $0xFFFFFFFF  }
0xbe: {  	_ =	strace $0x90000048  }
0xbf: {  	_ =	sfence  }
0xc0: {  	s30 =	sld [smem:$0x0];
	_ =	sdelay $0x2  }
0xc1: {  	s31 =	sshll.u32 s1, $0xD;
	s1 =	sshrl.u32 s1, $0x2  }
0xc2: {  	s3 =	sand.u32 $0x4000, s31;
	s1 =	sadd.s32 s1, s30  }
0xc3: {  	s0 =	sor.u32 s3, s0;
	s1 =	sshll.u32 s1, $0x11  }
0xc4: {  	s0 =	sor.u32 s1, s0  }
0xc5: {  	s0 =	sadd.s32 $0x8F2B, s0  }
0xc6: {  	[sflag:s0] =	ssyncadd.remote.s32 $0x1  }
0xc7: {  	_ =	sfence.sel $0xFFFF  }
0xc8: {  	[dreg:$0x0] =	wrdreg $0xFFFFFFFF;
	(pc) =	sbr.abs _section_cstart, $3  }
0xc9: {  	[dreg:$0x1] =	wrdreg $0xFFFFFFFF  }
0xca: {  	_ =	task.clear_ibuf [dreg:s9], $0x2FFFF;
	_ =	strace $0x9FFFFFFF  }
0xcb: {  	(tm) =	ssettm $0x7FFFFFFF  }
tec
execute0_lowered:
.L_overlay_start_1:
0x0: {  	(tag) =	ssettag $0x1  }
0x1: {  	s1 =	rddreg [dreg:$0x0]  }
0x2: {  	s2 =	rddreg [dreg:$0x1]  }
0x3: {  	s9 =	rddreg [dreg:$0x2]  }
0x4: {  	s10 =	rddreg [dreg:$0x3]  }
0x5: {  	s4 =	rddreg [dreg:$0x4]  }
0x6: {  	s0 =	rddreg [dreg:$0x5]  }
0x7: {  	s6 =	srdreg.scid;
	s3 =	stileid.u32  }
0x8: {  	s5 =	simm.s32 $0x0;
	s18 =	simm.s32 $0x100;
	s19 =	simm.s32 $0x1  }
0x9: {  	s20 =	simm.s32 $0x0;
	s12 =	sand.u32 $0x1, s6;
	s8 =	smul.u32 $0x280, s3  }
0xa: {  	[smem:$0x7FF] =	sst s5;
	s6 =	sadd.s32 $0xC800, s9;
	s7 =	sadd.s32 $0x2A00, s9  }
0xb: {  	s14 =	smul.u32 $0x50000, s3;
	s28 =	sshll.u32 s3, $0x6;
	s16 =	sshll.u32 s3, $0x1  }
0xc: {  	s30 =	sshll.u32 s3, $0x8;
	s11 =	smul.u32 $0x2800, s12;
	_ =	strace $0x80000047  }
0xd: {  	s13 =	ssub.s32 $0x2, s12;
	s29 =	sor.u32 s16, s12;
	s31 =	sshll.u32 s12, $0x7  }
0xe: {  	s16 =	simm.s32 $0x2;
	s25 =	sshrl.u32 s13, $0x1;
	s26 =	sshrl.u32 s14, $0x2  }
0xf: {  	s14 =	ssub.s32 $0x9E3, s29;
	s8 =	sadd.s32 s8, s11;
	s13 =	ssub.s32 s13, s25  }
0x10: {  	s17 =	sadd.s32 s26, s4;
	s11 =	sshll.u32 s8, $0x4;
	s8 =	sadd.s32 $0x64800, s9  }
0x11: {  	s12 =	smax.u32 s13, $0x1;
	s13 =	sshrl.u32 s14, $0x5;
	s14 =	sor.u32 s31, s30  }
0x12: {  	s15 =	sadd.s32 s11, s9;
	s9 =	sor.u32 $0x1C02, s28;
	s10 =	sadd.s32 s10, s11  }
0x13: {  	s11 =	sadd.s32 $0x67000, s15;
	s15 =	sshrl.u32 s17, $0x3;
	s17 =	simm.s32 $0x80  }
.LBB2_1:
0x14: {  	[spmem:s15], [sflag:s9] =	dma.local [hbm:s8], $0x2800  }
0x15: {  	p1 =	sne.s32 s13, $0x1  }
.Ltmp0:
0x16: {  	_ =	swait.ge [sflag:s16], $0x2800;
	(pc) =	sbr.rel @!p1 .LBB2_4-.Ltmp0, $4  }
0x17: {  	[sflag:s16] =	ssyncset.done $0x0  }
0x18: {  	[sflag:s16] =	ssyncadd.s32 $0xFFFFD800  }
0x19: {  	s21 =	sshrl.u32 s14, $0x3;
	s22 =	sadd.s32 $0xFFFFFFFF, s13;
	[bflag:$0x0] =	sbarrier.arrive $0xFFFF  }
0x1a: {  	p0 =	por $0x0, $0x0;
	p2 =	por $0x0, $0x0;
	s25 =	smov.u32 s21  }
0x1b: {  	s23 =	sadd.s32 s6, s21  }
0x1c: {  	[tilespmem:s5], [sflag:$0x2] =	stream.linear.gather [hbm4b:s23+s5], $0x80, $0x38;
	[tilespmem:$0x18100] =	vst v63  }
0x1d: {  	_ =	swait.ge [sflag:s16], $0x80  }
0x1e: {  	[sflag:s16] =	ssyncset.done $0x0  }
0x1f: {  	s31 =	sadd.s32 s7, s21;
	[sflag:s16] =	ssyncadd.s32 $0xFFFFFF80  }
0x20: {  	[tilespmem:s17], [sflag:$0x2] =	stream.linear.gather [hbm4b:s31+s5], $0x80, $0x38;
	[tilespmem:$0x18100] =	vst v63  }
0x21: {  	_ =	swait.ge [sflag:s16], $0x80  }
0x22: {  	[sflag:s16] =	ssyncset.done $0x0  }
0x23: {  	[sflag:s16] =	ssyncadd.s32 $0xFFFFFF80  }
0x24: {  	[tilespmem:s18], [sflag:$0x1] =	stream.indirect.gather [hbm4b:s1+s17], $0x80, s5, s17, $0xb8;
	[tilespmem:$0x18100] =	vst v63  }
0x25: {  	p3 =	sne.s32 s22, $0x1;
	_ =	swait.ge [sflag:s19], $0x4000  }
.Ltmp1:
0x26: {  	[sflag:s19] =	ssyncset.done $0x0;
	(pc) =	sbr.rel @!p3 .LBB2_4-.Ltmp1, $4  }
0x27: {  	[sflag:s19] =	ssyncadd.s32 $0xFFFFC000  }
0x28: {  	[spmem:s4] =	stream.indirect.scatter.add.f32 [tilespmem:s18], [sflag:$0x2], $0x80, s17, s17, $0xb8;
	[tilespmem:$0x18100] =	vst v63  }
0x29: {  	s24 =	sadd.s32 $0x1000, s14;
	p2 =	por $0x1, $0x1;
	_ =	swait.ge [sflag:s16], $0x4000  }
0x2a: {  	s23 =	sadd.s32 $0xFFFFFFFF, s22;
	s25 =	sshrl.u32 s24, $0x3;
	[sflag:s16] =	ssyncset.done $0x0  }
.LBB2_3:
0x2b: {  	p3 =	sne.s32 s23, $0x1;
	s26 =	sadd.s32 s6, s25;
	[sflag:s16] =	ssyncadd.s32 $0xFFFFC000  }
0x2c: {  	[tilespmem:s5], [sflag:$0x2] =	stream.linear.gather [hbm4b:s26+s5], $0x80, $0x38;
	[tilespmem:$0x18100] =	vst v63  }
0x2d: {  	s23 =	sadd.s32 $0xFFFFFFFF, s23;
	_ =	swait.ge [sflag:s16], $0x80  }
0x2e: {  	[sflag:s16] =	ssyncset.done $0x0  }
0x2f: {  	s25 =	sadd.s32 s7, s25;
	[sflag:s16] =	ssyncadd.s32 $0xFFFFFF80  }
0x30: {  	[tilespmem:s17], [sflag:$0x2] =	stream.linear.gather [hbm4b:s25+s5], $0x80, $0x38;
	[tilespmem:$0x18100] =	vst v63  }
0x31: {  	_ =	swait.ge [sflag:s16], $0x80  }
0x32: {  	[sflag:s16] =	ssyncset.done $0x0  }
0x33: {  	[sflag:s16] =	ssyncadd.s32 $0xFFFFFF80  }
0x34: {  	[tilespmem:s18], [sflag:$0x1] =	stream.indirect.gather [hbm4b:s1+s17], $0x80, s5, s17, $0xb8;
	[tilespmem:$0x18100] =	vst v63  }
0x35: {  	_ =	swait.ge [sflag:s19], $0x4000  }
.Ltmp2:
0x36: {  	[sflag:s19] =	ssyncset.done $0x0;
	(pc) =	sbr.rel @p3 .LBB2_3-.Ltmp2, $4  }
0x37: {  	[sflag:s19] =	ssyncadd.s32 $0xFFFFC000  }
0x38: {  	[spmem:s4] =	stream.indirect.scatter.add.f32 [tilespmem:s18], [sflag:$0x2], $0x80, s17, s17, $0xb8;
	[tilespmem:$0x18100] =	vst v63  }
0x39: {  	s24 =	sadd.s32 $0x1000, s24;
	_ =	swait.ge [sflag:s16], $0x4000  }
0x3a: {  	s25 =	sshrl.u32 s24, $0x3;
	[sflag:s16] =	ssyncset.done $0x0  }
.LBB2_4:
0x3b: {  	s23 =	sadd.s32 s6, s25;
	[sflag:s16] =	ssyncadd.s32 @p2 $0xFFFFC000  }
0x3c: {  	[tilespmem:s5], [sflag:$0x2] =	stream.linear.gather [hbm4b:s23+s5], $0x80, $0x38;
	[tilespmem:$0x18100] =	vst v63  }
0x3d: {  	_ =	swait.ge [sflag:s16], $0x80  }
0x3e: {  	[sflag:s16] =	ssyncset.done $0x0  }
0x3f: {  	s31 =	sadd.s32 s7, s25;
	[sflag:s16] =	ssyncadd.s32 $0xFFFFFF80  }
0x40: {  	[tilespmem:s17], [sflag:$0x2] =	stream.linear.gather [hbm4b:s31+s5], $0x80, $0x38;
	[tilespmem:$0x18100] =	vst v63  }
0x41: {  	_ =	swait.ge [sflag:s16], $0x80  }
0x42: {  	[sflag:s16] =	ssyncset.done $0x0  }
0x43: {  	[sflag:s16] =	ssyncadd.s32 $0xFFFFFF80  }
0x44: {  	[tilespmem:s18], [sflag:$0x1] =	stream.indirect.gather [hbm4b:s1+s17], $0x80, s5, s17, $0xb8;
	[tilespmem:$0x18100] =	vst v63  }
0x45: {  	_ =	swait.ge [sflag:s19], $0x4000  }
0x46: {  	[sflag:s19] =	ssyncset.done $0x0  }
0x47: {  	[sflag:s19] =	ssyncadd.s32 $0xFFFFC000  }
0x48: {  	[spmem:s4] =	stream.indirect.scatter.add.f32 [tilespmem:s18], [sflag:$0x2], $0x80, s17, s17, $0xb8;
	[tilespmem:$0x18100] =	vst v63  }
0x49: {  	_ =	swait.ge [sflag:s16], $0x4000  }
0x4a: {  	[sflag:s16] =	ssyncset.done $0x0  }
0x4b: {  	[sflag:s16] =	ssyncadd.s32 $0xFFFFC000  }
0x4c: {  	[bflag:$0x0] =	sbarrier.arrive $0xFFFF  }
0x4d: {  	[hbm:s10], [sflag:s9] =	dma.local [spmem:s15], $0x2800  }
0x4e: {  	_ =	swait.ge [sflag:s16], $0x2800  }
0x4f: {  	[sflag:s16] =	ssyncset.done $0x0  }
0x50: {  	[sflag:s16] =	ssyncadd.s32 $0xFFFFD800  }
0x51: {  	[spmem:s15], [sflag:s9] =	dma.local [hbm:s8], $0x2800  }
.Ltmp3:
0x52: {  	_ =	swait.ge [sflag:s16], $0x2800;
	(pc) =	sbr.rel @!p1 .LBB2_7-.Ltmp3, $3  }
0x53: {  	[sflag:s16] =	ssyncset.done $0x0  }
0x54: {  	[sflag:s16] =	ssyncadd.s32 $0xFFFFD800  }
0x55: {  	[bflag:$0x0] =	sbarrier.arrive $0xFFFF;
	_ =	sdelay $0x1  }
0x56: {  	s23 =	sadd.s32 s6, s21  }
0x57: {  	[tilespmem:s5], [sflag:$0x2] =	stream.linear.gather [hbm4b:s23+s5], $0x80, $0x38;
	[tilespmem:$0x18100] =	vst v63  }
0x58: {  	_ =	swait.ge [sflag:s16], $0x80  }
0x59: {  	[sflag:s16] =	ssyncset.done $0x0  }
0x5a: {  	s31 =	sadd.s32 s7, s21;
	[sflag:s16] =	ssyncadd.s32 $0xFFFFFF80  }
0x5b: {  	[tilespmem:s17], [sflag:$0x2] =	stream.linear.gather [hbm4b:s31+s5], $0x80, $0x38;
	[tilespmem:$0x18100] =	vst v63  }
0x5c: {  	_ =	swait.ge [sflag:s16], $0x80  }
0x5d: {  	[sflag:s16] =	ssyncset.done $0x0  }
0x5e: {  	[sflag:s16] =	ssyncadd.s32 $0xFFFFFF80  }
0x5f: {  	[tilespmem:s18], [sflag:$0x1] =	stream.indirect.gather [hbm4b:s2+s17], $0x80, s5, s17, $0xb8;
	[tilespmem:$0x18100] =	vst v63  }
0x60: {  	p1 =	sne.s32 s22, $0x1;
	_ =	swait.ge [sflag:s19], $0x4000  }
.Ltmp4:
0x61: {  	[sflag:s19] =	ssyncset.done $0x0;
	(pc) =	sbr.rel @!p1 .LBB2_7-.Ltmp4, $4  }
0x62: {  	[sflag:s19] =	ssyncadd.s32 $0xFFFFC000  }
0x63: {  	[spmem:s4] =	stream.indirect.scatter.add.f32 [tilespmem:s18], [sflag:$0x2], $0x80, s17, s17, $0xb8;
	[tilespmem:$0x18100] =	vst v63  }
0x64: {  	s22 =	sadd.s32 $0xFFFFFFFF, s22;
	s23 =	sadd.s32 $0x1000, s14;
	_ =	swait.ge [sflag:s16], $0x4000  }
0x65: {  	p0 =	por $0x1, $0x1;
	s21 =	sshrl.u32 s23, $0x3;
	[sflag:s16] =	ssyncset.done $0x0  }
.LBB2_6:
0x66: {  	p1 =	sne.s32 s22, $0x1;
	s24 =	sadd.s32 s6, s21;
	[sflag:s16] =	ssyncadd.s32 $0xFFFFC000  }
0x67: {  	[tilespmem:s5], [sflag:$0x2] =	stream.linear.gather [hbm4b:s24+s5], $0x80, $0x38;
	[tilespmem:$0x18100] =	vst v63  }
0x68: {  	s22 =	sadd.s32 $0xFFFFFFFF, s22;
	_ =	swait.ge [sflag:s16], $0x80  }
0x69: {  	[sflag:s16] =	ssyncset.done $0x0  }
0x6a: {  	s21 =	sadd.s32 s7, s21;
	[sflag:s16] =	ssyncadd.s32 $0xFFFFFF80  }
0x6b: {  	[tilespmem:s17], [sflag:$0x2] =	stream.linear.gather [hbm4b:s21+s5], $0x80, $0x38;
	[tilespmem:$0x18100] =	vst v63  }
0x6c: {  	_ =	swait.ge [sflag:s16], $0x80  }
0x6d: {  	[sflag:s16] =	ssyncset.done $0x0  }
0x6e: {  	[sflag:s16] =	ssyncadd.s32 $0xFFFFFF80  }
0x6f: {  	[tilespmem:s18], [sflag:$0x1] =	stream.indirect.gather [hbm4b:s2+s17], $0x80, s5, s17, $0xb8;
	[tilespmem:$0x18100] =	vst v63  }
0x70: {  	_ =	swait.ge [sflag:s19], $0x4000  }
.Ltmp5:
0x71: {  	[sflag:s19] =	ssyncset.done $0x0;
	(pc) =	sbr.rel @p1 .LBB2_6-.Ltmp5, $4  }
0x72: {  	[sflag:s19] =	ssyncadd.s32 $0xFFFFC000  }
0x73: {  	[spmem:s4] =	stream.indirect.scatter.add.f32 [tilespmem:s18], [sflag:$0x2], $0x80, s17, s17, $0xb8;
	[tilespmem:$0x18100] =	vst v63  }
0x74: {  	s23 =	sadd.s32 $0x1000, s23;
	_ =	swait.ge [sflag:s16], $0x4000  }
0x75: {  	s21 =	sshrl.u32 s23, $0x3;
	[sflag:s16] =	ssyncset.done $0x0  }
.LBB2_7:
0x76: {  	s22 =	sadd.s32 s6, s21;
	[sflag:s16] =	ssyncadd.s32 @p0 $0xFFFFC000  }
0x77: {  	[tilespmem:s5], [sflag:$0x2] =	stream.linear.gather [hbm4b:s22+s5], $0x80, $0x38;
	[tilespmem:$0x18100] =	vst v63  }
0x78: {  	_ =	swait.ge [sflag:s16], $0x80  }
0x79: {  	[sflag:s16] =	ssyncset.done $0x0  }
0x7a: {  	s31 =	sadd.s32 s7, s21;
	[sflag:s16] =	ssyncadd.s32 $0xFFFFFF80  }
0x7b: {  	[tilespmem:s17], [sflag:$0x2] =	stream.linear.gather [hbm4b:s31+s5], $0x80, $0x38;
	[tilespmem:$0x18100] =	vst v63  }
0x7c: {  	_ =	swait.ge [sflag:s16], $0x80  }
0x7d: {  	[sflag:s16] =	ssyncset.done $0x0  }
0x7e: {  	[sflag:s16] =	ssyncadd.s32 $0xFFFFFF80  }
0x7f: {  	[tilespmem:s18], [sflag:$0x1] =	stream.indirect.gather [hbm4b:s2+s17], $0x80, s5, s17, $0xb8;
	[tilespmem:$0x18100] =	vst v63  }
0x80: {  	_ =	swait.ge [sflag:s19], $0x4000  }
0x81: {  	[sflag:s19] =	ssyncset.done $0x0  }
0x82: {  	[sflag:s19] =	ssyncadd.s32 $0xFFFFC000  }
0x83: {  	[spmem:s4] =	stream.indirect.scatter.add.f32 [tilespmem:s18], [sflag:$0x2], $0x80, s17, s17, $0xb8;
	[tilespmem:$0x18100] =	vst v63  }
0x84: {  	_ =	swait.ge [sflag:s16], $0x4000  }
0x85: {  	s20 =	sadd.s32 $0x1, s20;
	[sflag:s16] =	ssyncset.done $0x0  }
0x86: {  	p0 =	sne.s32 s20, s12;
	[sflag:s16] =	ssyncadd.s32 $0xFFFFC000  }
.Ltmp6:
0x87: {  	[bflag:$0x0] =	sbarrier.arrive $0xFFFF;
	(pc) =	sbr.rel @p0 .LBB2_1-.Ltmp6, $4  }
0x88: {  	[hbm:s11], [sflag:s9] =	dma.local [spmem:s15], $0x2800  }
0x89: {  	_ =	swait.ge [sflag:s16], $0x2800  }
0x8a: {  	[sflag:s16] =	ssyncset.done $0x0  }
0x8b: {  	[sflag:s16] =	ssyncadd.s32 $0xFFFFD800  }
0x8c: {  	_ =	sfence.sel $0x180000  }
0x8d: {  	[bflag:$0x0] =	sbarrier.arrive $0xFFFF  }
0x8e: {  	p0 =	sne.s32 s3, $0x0;
	_ =	strace $0x90000047  }
0x8f: {  	s0 =	sadd.s32 @!p0 $0x100000, s0;
	[bflag:$0x2] =	sbarrier.arrive $0xFFFF  }
0x90: {  	[sflag:s0] =	ssyncadd.tile.s32 @!p0 $0x1;
	_ =	shalt  }
.Lfunc_end2:
_tile_overlayer_lowered:
.L_overlay_start_2:
0x91: {  	(tag) =	ssettag $0x2  }
0x92: {  	s0 =	rddreg [dreg:$0x0];
	s2 =	stileid.u32  }
0x93: {  	s1 =	rddreg [dreg:$0x1];
	p0 =	sne.s32 s2, $0x0  }
0x94: {  	s3 =	rddreg [dreg:$0x2];
	[bflag:$0x3] =	sbarrier.arrive $0xFFFF;
	s2 =	simm.s32 @!p0 $0x1C02  }
0x95: {  	[timem:s3], [sflag:s2] =	dma.local @!p0 [hbm:s0], s1  }
0x96: {  	s0 =	simm.s32 @!p0 $0x2  }
0x97: {  	_ =	swait.ge @!p0 [sflag:s0], s1  }
0x98: {  	s1 =	ssub.s32 @!p0 $0x0, s1;
	[sflag:s0] =	ssyncset.done @!p0 $0x0  }
0x99: {  	[sflag:s0] =	ssyncadd.s32 @!p0 s1  }
0x9a: {  	[bflag:$0x3] =	sbarrier.arrive $0xFFFF  }
0x9b: {  	_ =	shalt  }

</sc_bundles>
